<compile_context>
chip_gen: v7x
topology: tpu7x:2x2x1
jax: 0.10.2.dev20260603
libtpu: 0.0.44.dev20260713+nightly
codegen_flags: <defaults>
</compile_context>

<pallas_src>
import jax
import jax.numpy as jnp
from jax import lax
from jax.experimental import pallas as pl
from jax.experimental.pallas import tpu as pltpu
from jax.experimental.pallas import tpu_sc as plsc

N_EDGE = 160000
D = 256
NC = 2
NS = 16
NW = NC * NS
PER_W = N_EDGE // NW
C = 112
N_FULL = PER_W // C
TAIL_OFF = PER_W - C
NCH = N_FULL + 2
LANES = 16


def _sc_body(z_hbm, src_hbm, dst_hbm, out_hbm,
             srcv, dstv, out_full,
             rows_s0, rows_d0, rows_s1, rows_d1,
             sem_s0, sem_d0, sem_s1, sem_d1):
    wid = lax.axis_index("s") * NC + lax.axis_index("c")
    wbase = wid * PER_W
    rows_s = (rows_s0, rows_s1)
    rows_d = (rows_d0, rows_d1)
    sem_s = (sem_s0, sem_s1)
    sem_d = (sem_d0, sem_d1)

    pltpu.sync_copy(src_hbm.at[pl.ds(wbase, PER_W)], srcv)
    pltpu.sync_copy(dst_hbm.at[pl.ds(wbase, PER_W)], dstv)

    def chunk_off(c):
        return jnp.where(c < N_FULL, c * C, TAIL_OFF)

    def issue(c, b):
        off = chunk_off(c)
        pltpu.async_copy(z_hbm.at[srcv.at[pl.ds(off, C)]], rows_s[b],
                         sem_s[b])
        pltpu.async_copy(z_hbm.at[dstv.at[pl.ds(off, C)]], rows_d[b],
                         sem_d[b])

    def drain(c, b):
        off = chunk_off(c)
        pltpu.make_async_copy(z_hbm.at[srcv.at[pl.ds(off, C)]], rows_s[b],
                              sem_s[b]).wait()
        pltpu.make_async_copy(z_hbm.at[dstv.at[pl.ds(off, C)]], rows_d[b],
                              sem_d[b]).wait()

    for b in range(2):
        issue(b, b)

    def pair_body(i, carry):
        for b in range(2):
            c = i * 2 + b
            drain(c, b)
            rs, rd = rows_s[b], rows_d[b]
            off = chunk_off(c)

            def group_body(g, carry2, _rs=rs, _rd=rd, _off=off):
                lanes = g * LANES + lax.iota(jnp.int32, LANES)

                def feat_body(kb, carry3):
                    kv, a0, a1, a2, a3 = carry3
                    accs = [a0, a1, a2, a3]
                    for j in range(16):
                        vs = plsc.load_gather(_rs, [lanes, kv])
                        vd = plsc.load_gather(_rd, [lanes, kv])
                        accs[j % 4] = accs[j % 4] + vs * vd
                        kv = (kv + 1) & (D - 1)
                    return (kv, *accs)

                zero = jnp.zeros((LANES,), jnp.float32)
                kv0 = lax.iota(jnp.int32, LANES)
                _, a0, a1, a2, a3 = lax.fori_loop(
                    0, D // 16, feat_body, (kv0, zero, zero, zero, zero))
                out_full[pl.ds(_off + g * LANES, LANES)] = (a0 + a1) + (a2 + a3)
                return carry2

            lax.fori_loop(0, C // LANES, group_body, 0)

            @pl.when(c + 2 < NCH)
            def _():
                issue(c + 2, b)

        return carry

    lax.fori_loop(0, NCH // 2, pair_body, 0)
    pltpu.sync_copy(out_full, out_hbm.at[pl.ds(wbase, PER_W)])


@jax.jit
def _link_predict(z, src, dst):
    mesh = plsc.VectorSubcoreMesh(core_axis_name="c", subcore_axis_name="s")
    run = pl.kernel(
        _sc_body,
        out_type=jax.ShapeDtypeStruct((N_EDGE,), jnp.float32),
        mesh=mesh,
        scratch_types=[
            pltpu.VMEM((PER_W,), jnp.int32),
            pltpu.VMEM((PER_W,), jnp.int32),
            pltpu.VMEM((PER_W,), jnp.float32),
            pltpu.VMEM((C, D), jnp.float32),
            pltpu.VMEM((C, D), jnp.float32),
            pltpu.VMEM((C, D), jnp.float32),
            pltpu.VMEM((C, D), jnp.float32),
            pltpu.SemaphoreType.DMA,
            pltpu.SemaphoreType.DMA,
            pltpu.SemaphoreType.DMA,
            pltpu.SemaphoreType.DMA,
        ],
        compiler_params=pltpu.CompilerParams(
            use_tc_tiling_on_sc=False, needs_layout_passes=False),
    )
    return run(z, src, dst)


def kernel(z, edge):
    src = edge[:, 0].astype(jnp.int32)
    dst = edge[:, 1].astype(jnp.int32)
    return _link_predict(z, src, dst)

# --- scband reference (transcript-rebuilt; emitter-appended) ---
"""Pipeline reference for scband-link-predictor-16638703305292 (READ-ONLY COPY).

The authoritative reference and input builder live on the scoring server;
editing this copy changes nothing except your own understanding.
"""

import jax, jax.numpy as jnp
import numpy as np


def setup_inputs(seed: int = 0) -> dict:
    key = jax.random.key(seed)
    k1, k2 = jax.random.split(key)
    z = jax.random.normal(k1, (10000, 256), dtype=jnp.float32)
    edge = jax.random.randint(k2, (160000, 2), 0, 10000, dtype=jnp.int64 if jax.config.jax_enable_x64 else jnp.int32)
    return {"z": z, "edge": edge}


def reference(z, edge):
    # LinkPredictor: dot-product decoder over gathered node embeddings
    src = edge[:, 0]
    dst = edge[:, 1]
    zs = jnp.take(z, src, axis=0)
    zd = jnp.take(z, dst, axis=0)
    return (zs * zd).sum(axis=1)

if __name__ == "__main__":
    import jax
    _d = setup_inputs()
    print(jax.jit(kernel)(*tuple(_d.values())))

</pallas_src>

<mosaic_0001>
#map = affine_map<(d0, d1) -> (0, 0)>
#map1 = affine_map<(d0, d1) -> (0)>
module attributes {stable_mosaic.version = 14 : i64} {
  func.func @_sc_body(%arg0: i32, %arg1: i32, %arg2: memref<10000x256xf32, #tpu.memory_space<hbm>>, %arg3: memref<160000xi32, #tpu.memory_space<hbm>>, %arg4: memref<160000xi32, #tpu.memory_space<hbm>>, %arg5: memref<160000xf32, #tpu.memory_space<hbm>>, %arg6: memref<5000xi32, #tpu.memory_space<vmem>>, %arg7: memref<5000xi32, #tpu.memory_space<vmem>>, %arg8: memref<5000xf32, #tpu.memory_space<vmem>>, %arg9: memref<112x256xf32, #tpu.memory_space<vmem>>, %arg10: memref<112x256xf32, #tpu.memory_space<vmem>>, %arg11: memref<112x256xf32, #tpu.memory_space<vmem>>, %arg12: memref<112x256xf32, #tpu.memory_space<vmem>>, %arg13: memref<!tpu.dma_semaphore, #tpu.memory_space<semaphore_mem>>, %arg14: memref<!tpu.dma_semaphore, #tpu.memory_space<semaphore_mem>>, %arg15: memref<!tpu.dma_semaphore, #tpu.memory_space<semaphore_mem>>, %arg16: memref<!tpu.dma_semaphore, #tpu.memory_space<semaphore_mem>>) attributes {dimension_semantics = [#tpu.dimension_semantics<core_parallel>, #tpu.dimension_semantics<subcore_parallel>], iteration_bounds = array<i64: 2, 16>, scalar_prefetch = 0 : i64, scratch_operands = 11 : i64, tpu.core_type = #tpu.core_type<sc_vector_subcore>, window_params = [{transform_indices = #map}, {transform_indices = #map1}, {transform_indices = #map1}, {transform_indices = #map1}]} {
    %mul3A = arith.constant 2 : i32
    %mul3A_0 = arith.muli %arg1, %mul3A : i32
    %add3A = arith.addi %mul3A_0, %arg0 : i32
    %mul3A_1 = arith.constant 5000 : i32
    %mul3A_2 = arith.muli %add3A, %mul3A_1 : i32
    "tpu.region"() ({
      %run_scoped3A = tpu.sem_alloc : memref<!tpu.dma_semaphore, #tpu.memory_space<semaphore_mem>>
      %dma_start3A_29 = tpu.memref_slice %arg3[%mul3A_2] : memref<160000xi32, #tpu.memory_space<hbm>> -> memref<5000xi32, #tpu.memory_space<hbm>>
      %dma_start3A_30 = tpu.memref_slice %arg3[%mul3A_2] : memref<160000xi32, #tpu.memory_space<hbm>> -> memref<5000xi32, #tpu.memory_space<hbm>>
      tpu.enqueue_dma source(%dma_start3A_30 : memref<5000xi32, #tpu.memory_space<hbm>>) target(%arg6 : memref<5000xi32, #tpu.memory_space<vmem>>) target_semaphore(%run_scoped3A : memref<!tpu.dma_semaphore, #tpu.memory_space<semaphore_mem>>)
      %dma_wait3A = tpu.memref_slice %arg3[%mul3A_2] : memref<160000xi32, #tpu.memory_space<hbm>> -> memref<5000xi32, #tpu.memory_space<hbm>>
      %dma_wait3A_31 = tpu.memref_slice %arg3[%mul3A_2] : memref<160000xi32, #tpu.memory_space<hbm>> -> memref<5000xi32, #tpu.memory_space<hbm>>
      tpu.wait_dma2 semaphore(%run_scoped3A : memref<!tpu.dma_semaphore, #tpu.memory_space<semaphore_mem>>) src(%dma_wait3A_31 : memref<5000xi32, #tpu.memory_space<hbm>>) dst(%arg6 : memref<5000xi32, #tpu.memory_space<vmem>>)
      tpu.yield
    }) : () -> ()
    "tpu.region"() ({
      %run_scoped3A = tpu.sem_alloc : memref<!tpu.dma_semaphore, #tpu.memory_space<semaphore_mem>>
      %dma_start3A_29 = tpu.memref_slice %arg4[%mul3A_2] : memref<160000xi32, #tpu.memory_space<hbm>> -> memref<5000xi32, #tpu.memory_space<hbm>>
      %dma_start3A_30 = tpu.memref_slice %arg4[%mul3A_2] : memref<160000xi32, #tpu.memory_space<hbm>> -> memref<5000xi32, #tpu.memory_space<hbm>>
      tpu.enqueue_dma source(%dma_start3A_30 : memref<5000xi32, #tpu.memory_space<hbm>>) target(%arg7 : memref<5000xi32, #tpu.memory_space<vmem>>) target_semaphore(%run_scoped3A : memref<!tpu.dma_semaphore, #tpu.memory_space<semaphore_mem>>)
      %dma_wait3A = tpu.memref_slice %arg4[%mul3A_2] : memref<160000xi32, #tpu.memory_space<hbm>> -> memref<5000xi32, #tpu.memory_space<hbm>>
      %dma_wait3A_31 = tpu.memref_slice %arg4[%mul3A_2] : memref<160000xi32, #tpu.memory_space<hbm>> -> memref<5000xi32, #tpu.memory_space<hbm>>
      tpu.wait_dma2 semaphore(%run_scoped3A : memref<!tpu.dma_semaphore, #tpu.memory_space<semaphore_mem>>) src(%dma_wait3A_31 : memref<5000xi32, #tpu.memory_space<hbm>>) dst(%arg7 : memref<5000xi32, #tpu.memory_space<vmem>>)
      tpu.yield
    }) : () -> ()
    %jit3A = arith.constant true
    %jit3A_3 = arith.constant 0 : i32
    %jit3A_4 = arith.constant 4888 : i32
    %select_n3A = arith.select %jit3A, %jit3A_3, %jit3A_4 : i32
    %dma_start3A = tpu.memref_slice %arg6[%select_n3A] : memref<5000xi32, #tpu.memory_space<vmem>> -> memref<112xi32, #tpu.memory_space<vmem>>
    %dma_start3A_5 = arith.constant 0 : i32
    %dma_start3A_6 = arith.constant 0 : i32
    %dma_start3A_7 = tpu.memref_slice %arg2[%dma_start3A_5, %dma_start3A_6] : memref<10000x256xf32, #tpu.memory_space<hbm>> -> memref<10000x256xf32, #tpu.memory_space<hbm>>
    tpu.enqueue_indirect_dma source(%dma_start3A_7 : memref<10000x256xf32, #tpu.memory_space<hbm>>) target(%arg9 : memref<112x256xf32, #tpu.memory_space<vmem>>) offsets(%dma_start3A : memref<112xi32, #tpu.memory_space<vmem>>) semaphore(%arg13 : memref<!tpu.dma_semaphore, #tpu.memory_space<semaphore_mem>>)
    %dma_start3A_8 = tpu.memref_slice %arg7[%select_n3A] : memref<5000xi32, #tpu.memory_space<vmem>> -> memref<112xi32, #tpu.memory_space<vmem>>
    %dma_start3A_9 = arith.constant 0 : i32
    %dma_start3A_10 = arith.constant 0 : i32
    %dma_start3A_11 = tpu.memref_slice %arg2[%dma_start3A_9, %dma_start3A_10] : memref<10000x256xf32, #tpu.memory_space<hbm>> -> memref<10000x256xf32, #tpu.memory_space<hbm>>
    tpu.enqueue_indirect_dma source(%dma_start3A_11 : memref<10000x256xf32, #tpu.memory_space<hbm>>) target(%arg10 : memref<112x256xf32, #tpu.memory_space<vmem>>) offsets(%dma_start3A_8 : memref<112xi32, #tpu.memory_space<vmem>>) semaphore(%arg14 : memref<!tpu.dma_semaphore, #tpu.memory_space<semaphore_mem>>)
    %jit3A_12 = arith.constant true
    %jit3A_13 = arith.constant 112 : i32
    %jit3A_14 = arith.constant 4888 : i32
    %select_n3A_15 = arith.select %jit3A_12, %jit3A_13, %jit3A_14 : i32
    %dma_start3A_16 = tpu.memref_slice %arg6[%select_n3A_15] : memref<5000xi32, #tpu.memory_space<vmem>> -> memref<112xi32, #tpu.memory_space<vmem>>
    %dma_start3A_17 = arith.constant 0 : i32
    %dma_start3A_18 = arith.constant 0 : i32
    %dma_start3A_19 = tpu.memref_slice %arg2[%dma_start3A_17, %dma_start3A_18] : memref<10000x256xf32, #tpu.memory_space<hbm>> -> memref<10000x256xf32, #tpu.memory_space<hbm>>
    tpu.enqueue_indirect_dma source(%dma_start3A_19 : memref<10000x256xf32, #tpu.memory_space<hbm>>) target(%arg11 : memref<112x256xf32, #tpu.memory_space<vmem>>) offsets(%dma_start3A_16 : memref<112xi32, #tpu.memory_space<vmem>>) semaphore(%arg15 : memref<!tpu.dma_semaphore, #tpu.memory_space<semaphore_mem>>)
    %dma_start3A_20 = tpu.memref_slice %arg7[%select_n3A_15] : memref<5000xi32, #tpu.memory_space<vmem>> -> memref<112xi32, #tpu.memory_space<vmem>>
    %dma_start3A_21 = arith.constant 0 : i32
    %dma_start3A_22 = arith.constant 0 : i32
    %dma_start3A_23 = tpu.memref_slice %arg2[%dma_start3A_21, %dma_start3A_22] : memref<10000x256xf32, #tpu.memory_space<hbm>> -> memref<10000x256xf32, #tpu.memory_space<hbm>>
    tpu.enqueue_indirect_dma source(%dma_start3A_23 : memref<10000x256xf32, #tpu.memory_space<hbm>>) target(%arg12 : memref<112x256xf32, #tpu.memory_space<vmem>>) offsets(%dma_start3A_20 : memref<112xi32, #tpu.memory_space<vmem>>) semaphore(%arg16 : memref<!tpu.dma_semaphore, #tpu.memory_space<semaphore_mem>>)
    %scan3A = arith.constant 0 : i32
    %scan3A_24 = arith.constant 0 : i32
    %scan3A_25 = arith.constant 23 : i32
    %scan3A_26 = arith.addi %scan3A_24, %scan3A_25 : i32
    %scan3A_27 = arith.constant 1 : i32
    scf.for %scan3A_29 = %scan3A_24 to %scan3A_26 step %scan3A_27  : i32 {
      %mul3A_30 = arith.constant 2 : i32
      %mul3A_31 = arith.muli %scan3A_29, %mul3A_30 : i32
      %add3A_32 = arith.constant 0 : i32
      %add3A_33 = arith.addi %mul3A_31, %add3A_32 : i32
      %lt3A = arith.constant 44 : i32
      %lt3A_34 = arith.cmpi slt, %add3A_33, %lt3A : i32
      %mul3A_35 = arith.constant 112 : i32
      %mul3A_36 = arith.muli %add3A_33, %mul3A_35 : i32
      %jit3A_37 = arith.constant 4888 : i32
      %select_n3A_38 = arith.select %lt3A_34, %mul3A_36, %jit3A_37 : i32
      %dma_wait3A = tpu.memref_slice %arg6[%select_n3A_38] : memref<5000xi32, #tpu.memory_space<vmem>> -> memref<112xi32, #tpu.memory_space<vmem>>
      %dma_wait3A_39 = arith.constant 0 : i32
      %dma_wait3A_40 = arith.constant 0 : i32
      %dma_wait3A_41 = tpu.memref_slice %arg2[%dma_wait3A_39, %dma_wait3A_40] : memref<10000x256xf32, #tpu.memory_space<hbm>> -> memref<10000x256xf32, #tpu.memory_space<hbm>>
      tpu.wait_indirect_dma semaphore(%arg13 : memref<!tpu.dma_semaphore, #tpu.memory_space<semaphore_mem>>) src(%dma_wait3A_41 : memref<10000x256xf32, #tpu.memory_space<hbm>>) dst(%arg9 : memref<112x256xf32, #tpu.memory_space<vmem>>)
      %dma_wait3A_42 = tpu.memref_slice %arg7[%select_n3A_38] : memref<5000xi32, #tpu.memory_space<vmem>> -> memref<112xi32, #tpu.memory_space<vmem>>
      %dma_wait3A_43 = arith.constant 0 : i32
      %dma_wait3A_44 = arith.constant 0 : i32
      %dma_wait3A_45 = tpu.memref_slice %arg2[%dma_wait3A_43, %dma_wait3A_44] : memref<10000x256xf32, #tpu.memory_space<hbm>> -> memref<10000x256xf32, #tpu.memory_space<hbm>>
      tpu.wait_indirect_dma semaphore(%arg14 : memref<!tpu.dma_semaphore, #tpu.memory_space<semaphore_mem>>) src(%dma_wait3A_45 : memref<10000x256xf32, #tpu.memory_space<hbm>>) dst(%arg10 : memref<112x256xf32, #tpu.memory_space<vmem>>)
      %lt3A_46 = arith.constant 44 : i32
      %lt3A_47 = arith.cmpi slt, %add3A_33, %lt3A_46 : i32
      %mul3A_48 = arith.constant 112 : i32
      %mul3A_49 = arith.muli %add3A_33, %mul3A_48 : i32
      %jit3A_50 = arith.constant 4888 : i32
      %select_n3A_51 = arith.select %lt3A_47, %mul3A_49, %jit3A_50 : i32
      %scan3A_52 = arith.constant 0 : i32
      %scan3A_53 = arith.constant 0 : i32
      %scan3A_54 = arith.constant 7 : i32
      %scan3A_55 = arith.addi %scan3A_53, %scan3A_54 : i32
      %scan3A_56 = arith.constant 1 : i32
      scf.for %scan3A_100 = %scan3A_53 to %scan3A_55 step %scan3A_56  : i32 {
        %mul3A_101 = arith.constant 16 : i32
        %mul3A_102 = arith.muli %scan3A_100, %mul3A_101 : i32
        %iota3A = tpu.iota {dimensions = array<i32: 0>} : vector<16xi32>
        %add3A_103 = vector.broadcast %mul3A_102 : i32 to vector<16xi32>
        %add3A_104 = arith.addi %add3A_103, %iota3A : vector<16xi32>
        %broadcast_in_dim3A = arith.constant 0.000000e+00 : f32
        %broadcast_in_dim3A_105 = vector.broadcast %broadcast_in_dim3A : f32 to vector<16xf32>
        %iota3A_106 = tpu.iota {dimensions = array<i32: 0>} : vector<16xi32>
        %scan3A_107 = arith.constant 0 : i32
        %scan3A_108 = arith.constant 16 : i32
        %scan3A_109 = arith.addi %scan3A_107, %scan3A_108 : i32
        %scan3A_110 = arith.constant 1 : i32
        %scan3A_111:5 = scf.for %scan3A_120 = %scan3A_107 to %scan3A_109 step %scan3A_110 iter_args(%scan3A_121 = %iota3A_106, %scan3A_122 = %broadcast_in_dim3A_105, %scan3A_123 = %broadcast_in_dim3A_105, %scan3A_124 = %broadcast_in_dim3A_105, %scan3A_125 = %broadcast_in_dim3A_105) -> (vector<16xi32>, vector<16xf32>, vector<16xf32>, vector<16xf32>, vector<16xf32>)  : i32 {
          %gather3A = tpu.vector_load_idx %arg9[%add3A_104, %scan3A_121] : memref<112x256xf32, #tpu.memory_space<vmem>>[vector<16xi32>, vector<16xi32>], vector<16xf32>,
          %gather3A_126 = tpu.vector_load_idx %arg10[%add3A_104, %scan3A_121] : memref<112x256xf32, #tpu.memory_space<vmem>>[vector<16xi32>, vector<16xi32>], vector<16xf32>,
          %mul3A_127 = arith.mulf %gather3A, %gather3A_126 : vector<16xf32>
          %add3A_128 = arith.addf %scan3A_122, %mul3A_127 : vector<16xf32>
          %add3A_129 = arith.constant 1 : i32
          %add3A_130 = vector.broadcast %add3A_129 : i32 to vector<16xi32>
          %add3A_131 = arith.addi %scan3A_121, %add3A_130 : vector<16xi32>
          %and3A = arith.constant 255 : i32
          %and3A_132 = vector.broadcast %and3A : i32 to vector<16xi32>
          %and3A_133 = arith.andi %add3A_131, %and3A_132 : vector<16xi32>
          %gather3A_134 = tpu.vector_load_idx %arg9[%add3A_104, %and3A_133] : memref<112x256xf32, #tpu.memory_space<vmem>>[vector<16xi32>, vector<16xi32>], vector<16xf32>,
          %gather3A_135 = tpu.vector_load_idx %arg10[%add3A_104, %and3A_133] : memref<112x256xf32, #tpu.memory_space<vmem>>[vector<16xi32>, vector<16xi32>], vector<16xf32>,
          %mul3A_136 = arith.mulf %gather3A_134, %gather3A_135 : vector<16xf32>
          %add3A_137 = arith.addf %scan3A_123, %mul3A_136 : vector<16xf32>
          %add3A_138 = arith.constant 1 : i32
          %add3A_139 = vector.broadcast %add3A_138 : i32 to vector<16xi32>
          %add3A_140 = arith.addi %and3A_133, %add3A_139 : vector<16xi32>
          %and3A_141 = arith.constant 255 : i32
          %and3A_142 = vector.broadcast %and3A_141 : i32 to vector<16xi32>
          %and3A_143 = arith.andi %add3A_140, %and3A_142 : vector<16xi32>
          %gather3A_144 = tpu.vector_load_idx %arg9[%add3A_104, %and3A_143] : memref<112x256xf32, #tpu.memory_space<vmem>>[vector<16xi32>, vector<16xi32>], vector<16xf32>,
          %gather3A_145 = tpu.vector_load_idx %arg10[%add3A_104, %and3A_143] : memref<112x256xf32, #tpu.memory_space<vmem>>[vector<16xi32>, vector<16xi32>], vector<16xf32>,
          %mul3A_146 = arith.mulf %gather3A_144, %gather3A_145 : vector<16xf32>
          %add3A_147 = arith.addf %scan3A_124, %mul3A_146 : vector<16xf32>
          %add3A_148 = arith.constant 1 : i32
          %add3A_149 = vector.broadcast %add3A_148 : i32 to vector<16xi32>
          %add3A_150 = arith.addi %and3A_143, %add3A_149 : vector<16xi32>
          %and3A_151 = arith.constant 255 : i32
          %and3A_152 = vector.broadcast %and3A_151 : i32 to vector<16xi32>
          %and3A_153 = arith.andi %add3A_150, %and3A_152 : vector<16xi32>
          %gather3A_154 = tpu.vector_load_idx %arg9[%add3A_104, %and3A_153] : memref<112x256xf32, #tpu.memory_space<vmem>>[vector<16xi32>, vector<16xi32>], vector<16xf32>,
          %gather3A_155 = tpu.vector_load_idx %arg10[%add3A_104, %and3A_153] : memref<112x256xf32, #tpu.memory_space<vmem>>[vector<16xi32>, vector<16xi32>], vector<16xf32>,
          %mul3A_156 = arith.mulf %gather3A_154, %gather3A_155 : vector<16xf32>
          %add3A_157 = arith.addf %scan3A_125, %mul3A_156 : vector<16xf32>
          %add3A_158 = arith.constant 1 : i32
          %add3A_159 = vector.broadcast %add3A_158 : i32 to vector<16xi32>
          %add3A_160 = arith.addi %and3A_153, %add3A_159 : vector<16xi32>
          %and3A_161 = arith.constant 255 : i32
          %and3A_162 = vector.broadcast %and3A_161 : i32 to vector<16xi32>
          %and3A_163 = arith.andi %add3A_160, %and3A_162 : vector<16xi32>
          %gather3A_164 = tpu.vector_load_idx %arg9[%add3A_104, %and3A_163] : memref<112x256xf32, #tpu.memory_space<vmem>>[vector<16xi32>, vector<16xi32>], vector<16xf32>,
          %gather3A_165 = tpu.vector_load_idx %arg10[%add3A_104, %and3A_163] : memref<112x256xf32, #tpu.memory_space<vmem>>[vector<16xi32>, vector<16xi32>], vector<16xf32>,
          %mul3A_166 = arith.mulf %gather3A_164, %gather3A_165 : vector<16xf32>
          %add3A_167 = arith.addf %add3A_128, %mul3A_166 : vector<16xf32>
          %add3A_168 = arith.constant 1 : i32
          %add3A_169 = vector.broadcast %add3A_168 : i32 to vector<16xi32>
          %add3A_170 = arith.addi %and3A_163, %add3A_169 : vector<16xi32>
          %and3A_171 = arith.constant 255 : i32
          %and3A_172 = vector.broadcast %and3A_171 : i32 to vector<16xi32>
          %and3A_173 = arith.andi %add3A_170, %and3A_172 : vector<16xi32>
          %gather3A_174 = tpu.vector_load_idx %arg9[%add3A_104, %and3A_173] : memref<112x256xf32, #tpu.memory_space<vmem>>[vector<16xi32>, vector<16xi32>], vector<16xf32>,
          %gather3A_175 = tpu.vector_load_idx %arg10[%add3A_104, %and3A_173] : memref<112x256xf32, #tpu.memory_space<vmem>>[vector<16xi32>, vector<16xi32>], vector<16xf32>,
          %mul3A_176 = arith.mulf %gather3A_174, %gather3A_175 : vector<16xf32>
          %add3A_177 = arith.addf %add3A_137, %mul3A_176 : vector<16xf32>
          %add3A_178 = arith.constant 1 : i32
          %add3A_179 = vector.broadcast %add3A_178 : i32 to vector<16xi32>
          %add3A_180 = arith.addi %and3A_173, %add3A_179 : vector<16xi32>
          %and3A_181 = arith.constant 255 : i32
          %and3A_182 = vector.broadcast %and3A_181 : i32 to vector<16xi32>
          %and3A_183 = arith.andi %add3A_180, %and3A_182 : vector<16xi32>
          %gather3A_184 = tpu.vector_load_idx %arg9[%add3A_104, %and3A_183] : memref<112x256xf32, #tpu.memory_space<vmem>>[vector<16xi32>, vector<16xi32>], vector<16xf32>,
          %gather3A_185 = tpu.vector_load_idx %arg10[%add3A_104, %and3A_183] : memref<112x256xf32, #tpu.memory_space<vmem>>[vector<16xi32>, vector<16xi32>], vector<16xf32>,
          %mul3A_186 = arith.mulf %gather3A_184, %gather3A_185 : vector<16xf32>
          %add3A_187 = arith.addf %add3A_147, %mul3A_186 : vector<16xf32>
          %add3A_188 = arith.constant 1 : i32
          %add3A_189 = vector.broadcast %add3A_188 : i32 to vector<16xi32>
          %add3A_190 = arith.addi %and3A_183, %add3A_189 : vector<16xi32>
          %and3A_191 = arith.constant 255 : i32
          %and3A_192 = vector.broadcast %and3A_191 : i32 to vector<16xi32>
          %and3A_193 = arith.andi %add3A_190, %and3A_192 : vector<16xi32>
          %gather3A_194 = tpu.vector_load_idx %arg9[%add3A_104, %and3A_193] : memref<112x256xf32, #tpu.memory_space<vmem>>[vector<16xi32>, vector<16xi32>], vector<16xf32>,
          %gather3A_195 = tpu.vector_load_idx %arg10[%add3A_104, %and3A_193] : memref<112x256xf32, #tpu.memory_space<vmem>>[vector<16xi32>, vector<16xi32>], vector<16xf32>,
          %mul3A_196 = arith.mulf %gather3A_194, %gather3A_195 : vector<16xf32>
          %add3A_197 = arith.addf %add3A_157, %mul3A_196 : vector<16xf32>
          %add3A_198 = arith.constant 1 : i32
          %add3A_199 = vector.broadcast %add3A_198 : i32 to vector<16xi32>
          %add3A_200 = arith.addi %and3A_193, %add3A_199 : vector<16xi32>
          %and3A_201 = arith.constant 255 : i32
          %and3A_202 = vector.broadcast %and3A_201 : i32 to vector<16xi32>
          %and3A_203 = arith.andi %add3A_200, %and3A_202 : vector<16xi32>
          %gather3A_204 = tpu.vector_load_idx %arg9[%add3A_104, %and3A_203] : memref<112x256xf32, #tpu.memory_space<vmem>>[vector<16xi32>, vector<16xi32>], vector<16xf32>,
          %gather3A_205 = tpu.vector_load_idx %arg10[%add3A_104, %and3A_203] : memref<112x256xf32, #tpu.memory_space<vmem>>[vector<16xi32>, vector<16xi32>], vector<16xf32>,
          %mul3A_206 = arith.mulf %gather3A_204, %gather3A_205 : vector<16xf32>
          %add3A_207 = arith.addf %add3A_167, %mul3A_206 : vector<16xf32>
          %add3A_208 = arith.constant 1 : i32
          %add3A_209 = vector.broadcast %add3A_208 : i32 to vector<16xi32>
          %add3A_210 = arith.addi %and3A_203, %add3A_209 : vector<16xi32>
          %and3A_211 = arith.constant 255 : i32
          %and3A_212 = vector.broadcast %and3A_211 : i32 to vector<16xi32>
          %and3A_213 = arith.andi %add3A_210, %and3A_212 : vector<16xi32>
          %gather3A_214 = tpu.vector_load_idx %arg9[%add3A_104, %and3A_213] : memref<112x256xf32, #tpu.memory_space<vmem>>[vector<16xi32>, vector<16xi32>], vector<16xf32>,
          %gather3A_215 = tpu.vector_load_idx %arg10[%add3A_104, %and3A_213] : memref<112x256xf32, #tpu.memory_space<vmem>>[vector<16xi32>, vector<16xi32>], vector<16xf32>,
          %mul3A_216 = arith.mulf %gather3A_214, %gather3A_215 : vector<16xf32>
          %add3A_217 = arith.addf %add3A_177, %mul3A_216 : vector<16xf32>
          %add3A_218 = arith.constant 1 : i32
          %add3A_219 = vector.broadcast %add3A_218 : i32 to vector<16xi32>
          %add3A_220 = arith.addi %and3A_213, %add3A_219 : vector<16xi32>
          %and3A_221 = arith.constant 255 : i32
          %and3A_222 = vector.broadcast %and3A_221 : i32 to vector<16xi32>
          %and3A_223 = arith.andi %add3A_220, %and3A_222 : vector<16xi32>
          %gather3A_224 = tpu.vector_load_idx %arg9[%add3A_104, %and3A_223] : memref<112x256xf32, #tpu.memory_space<vmem>>[vector<16xi32>, vector<16xi32>], vector<16xf32>,
          %gather3A_225 = tpu.vector_load_idx %arg10[%add3A_104, %and3A_223] : memref<112x256xf32, #tpu.memory_space<vmem>>[vector<16xi32>, vector<16xi32>], vector<16xf32>,
          %mul3A_226 = arith.mulf %gather3A_224, %gather3A_225 : vector<16xf32>
          %add3A_227 = arith.addf %add3A_187, %mul3A_226 : vector<16xf32>
          %add3A_228 = arith.constant 1 : i32
          %add3A_229 = vector.broadcast %add3A_228 : i32 to vector<16xi32>
          %add3A_230 = arith.addi %and3A_223, %add3A_229 : vector<16xi32>
          %and3A_231 = arith.constant 255 : i32
          %and3A_232 = vector.broadcast %and3A_231 : i32 to vector<16xi32>
          %and3A_233 = arith.andi %add3A_230, %and3A_232 : vector<16xi32>
          %gather3A_234 = tpu.vector_load_idx %arg9[%add3A_104, %and3A_233] : memref<112x256xf32, #tpu.memory_space<vmem>>[vector<16xi32>, vector<16xi32>], vector<16xf32>,
          %gather3A_235 = tpu.vector_load_idx %arg10[%add3A_104, %and3A_233] : memref<112x256xf32, #tpu.memory_space<vmem>>[vector<16xi32>, vector<16xi32>], vector<16xf32>,
          %mul3A_236 = arith.mulf %gather3A_234, %gather3A_235 : vector<16xf32>
          %add3A_237 = arith.addf %add3A_197, %mul3A_236 : vector<16xf32>
          %add3A_238 = arith.constant 1 : i32
          %add3A_239 = vector.broadcast %add3A_238 : i32 to vector<16xi32>
          %add3A_240 = arith.addi %and3A_233, %add3A_239 : vector<16xi32>
          %and3A_241 = arith.constant 255 : i32
          %and3A_242 = vector.broadcast %and3A_241 : i32 to vector<16xi32>
          %and3A_243 = arith.andi %add3A_240, %and3A_242 : vector<16xi32>
          %gather3A_244 = tpu.vector_load_idx %arg9[%add3A_104, %and3A_243] : memref<112x256xf32, #tpu.memory_space<vmem>>[vector<16xi32>, vector<16xi32>], vector<16xf32>,
          %gather3A_245 = tpu.vector_load_idx %arg10[%add3A_104, %and3A_243] : memref<112x256xf32, #tpu.memory_space<vmem>>[vector<16xi32>, vector<16xi32>], vector<16xf32>,
          %mul3A_246 = arith.mulf %gather3A_244, %gather3A_245 : vector<16xf32>
          %add3A_247 = arith.addf %add3A_207, %mul3A_246 : vector<16xf32>
          %add3A_248 = arith.constant 1 : i32
          %add3A_249 = vector.broadcast %add3A_248 : i32 to vector<16xi32>
          %add3A_250 = arith.addi %and3A_243, %add3A_249 : vector<16xi32>
          %and3A_251 = arith.constant 255 : i32
          %and3A_252 = vector.broadcast %and3A_251 : i32 to vector<16xi32>
          %and3A_253 = arith.andi %add3A_250, %and3A_252 : vector<16xi32>
          %gather3A_254 = tpu.vector_load_idx %arg9[%add3A_104, %and3A_253] : memref<112x256xf32, #tpu.memory_space<vmem>>[vector<16xi32>, vector<16xi32>], vector<16xf32>,
          %gather3A_255 = tpu.vector_load_idx %arg10[%add3A_104, %and3A_253] : memref<112x256xf32, #tpu.memory_space<vmem>>[vector<16xi32>, vector<16xi32>], vector<16xf32>,
          %mul3A_256 = arith.mulf %gather3A_254, %gather3A_255 : vector<16xf32>
          %add3A_257 = arith.addf %add3A_217, %mul3A_256 : vector<16xf32>
          %add3A_258 = arith.constant 1 : i32
          %add3A_259 = vector.broadcast %add3A_258 : i32 to vector<16xi32>
          %add3A_260 = arith.addi %and3A_253, %add3A_259 : vector<16xi32>
          %and3A_261 = arith.constant 255 : i32
          %and3A_262 = vector.broadcast %and3A_261 : i32 to vector<16xi32>
          %and3A_263 = arith.andi %add3A_260, %and3A_262 : vector<16xi32>
          %gather3A_264 = tpu.vector_load_idx %arg9[%add3A_104, %and3A_263] : memref<112x256xf32, #tpu.memory_space<vmem>>[vector<16xi32>, vector<16xi32>], vector<16xf32>,
          %gather3A_265 = tpu.vector_load_idx %arg10[%add3A_104, %and3A_263] : memref<112x256xf32, #tpu.memory_space<vmem>>[vector<16xi32>, vector<16xi32>], vector<16xf32>,
          %mul3A_266 = arith.mulf %gather3A_264, %gather3A_265 : vector<16xf32>
          %add3A_267 = arith.addf %add3A_227, %mul3A_266 : vector<16xf32>
          %add3A_268 = arith.constant 1 : i32
          %add3A_269 = vector.broadcast %add3A_268 : i32 to vector<16xi32>
          %add3A_270 = arith.addi %and3A_263, %add3A_269 : vector<16xi32>
          %and3A_271 = arith.constant 255 : i32
          %and3A_272 = vector.broadcast %and3A_271 : i32 to vector<16xi32>
          %and3A_273 = arith.andi %add3A_270, %and3A_272 : vector<16xi32>
          %gather3A_274 = tpu.vector_load_idx %arg9[%add3A_104, %and3A_273] : memref<112x256xf32, #tpu.memory_space<vmem>>[vector<16xi32>, vector<16xi32>], vector<16xf32>,
          %gather3A_275 = tpu.vector_load_idx %arg10[%add3A_104, %and3A_273] : memref<112x256xf32, #tpu.memory_space<vmem>>[vector<16xi32>, vector<16xi32>], vector<16xf32>,
          %mul3A_276 = arith.mulf %gather3A_274, %gather3A_275 : vector<16xf32>
          %add3A_277 = arith.addf %add3A_237, %mul3A_276 : vector<16xf32>
          %add3A_278 = arith.constant 1 : i32
          %add3A_279 = vector.broadcast %add3A_278 : i32 to vector<16xi32>
          %add3A_280 = arith.addi %and3A_273, %add3A_279 : vector<16xi32>
          %and3A_281 = arith.constant 255 : i32
          %and3A_282 = vector.broadcast %and3A_281 : i32 to vector<16xi32>
          %and3A_283 = arith.andi %add3A_280, %and3A_282 : vector<16xi32>
          scf.yield %and3A_283, %add3A_247, %add3A_257, %add3A_267, %add3A_277 : vector<16xi32>, vector<16xf32>, vector<16xf32>, vector<16xf32>, vector<16xf32>
        }
        %scan3A_112 = arith.constant 16 : i32
        %add3A_113 = arith.addf %scan3A_111#1, %scan3A_111#2 : vector<16xf32>
        %add3A_114 = arith.addf %scan3A_111#3, %scan3A_111#4 : vector<16xf32>
        %add3A_115 = arith.addf %add3A_113, %add3A_114 : vector<16xf32>
        %mul3A_116 = arith.constant 16 : i32
        %mul3A_117 = arith.muli %scan3A_100, %mul3A_116 : i32
        %add3A_118 = arith.addi %select_n3A_51, %mul3A_117 : i32
        %swap3A = arith.index_cast %add3A_118 : i32 to index
        %swap3A_119 = tpu.vector_load %arg8[%swap3A] {strides = array<i32>} : memref<5000xf32, #tpu.memory_space<vmem>>, vector<16xf32>,
        tpu.vector_store %arg8[%swap3A], %add3A_115 {strides = array<i32>} : memref<5000xf32, #tpu.memory_space<vmem>>, vector<16xf32>,
      }
      %scan3A_57 = arith.constant 7 : i32
      %add3A_58 = arith.constant 2 : i32
      %add3A_59 = arith.addi %add3A_33, %add3A_58 : i32
      %lt3A_60 = arith.constant 46 : i32
      %lt3A_61 = arith.cmpi slt, %add3A_59, %lt3A_60 : i32
      %convert_element_type3A = arith.extui %lt3A_61 : i1 to i32
      %cond3A = arith.constant 0 : i32
      %cond3A_62 = arith.cmpi ne, %convert_element_type3A, %cond3A : i32
      scf.if %cond3A_62 {
        %add3A_100 = arith.constant 2 : i32
        %add3A_101 = arith.addi %add3A_33, %add3A_100 : i32
        %lt3A_102 = arith.constant 44 : i32
        %lt3A_103 = arith.cmpi slt, %add3A_101, %lt3A_102 : i32
        %mul3A_104 = arith.constant 112 : i32
        %mul3A_105 = arith.muli %add3A_101, %mul3A_104 : i32
        %jit3A_106 = arith.constant 4888 : i32
        %select_n3A_107 = arith.select %lt3A_103, %mul3A_105, %jit3A_106 : i32
        %dma_start3A_108 = tpu.memref_slice %arg6[%select_n3A_107] : memref<5000xi32, #tpu.memory_space<vmem>> -> memref<112xi32, #tpu.memory_space<vmem>>
        %dma_start3A_109 = arith.constant 0 : i32
        %dma_start3A_110 = arith.constant 0 : i32
        %dma_start3A_111 = tpu.memref_slice %arg2[%dma_start3A_109, %dma_start3A_110] : memref<10000x256xf32, #tpu.memory_space<hbm>> -> memref<10000x256xf32, #tpu.memory_space<hbm>>
        tpu.enqueue_indirect_dma source(%dma_start3A_111 : memref<10000x256xf32, #tpu.memory_space<hbm>>) target(%arg9 : memref<112x256xf32, #tpu.memory_space<vmem>>) offsets(%dma_start3A_108 : memref<112xi32, #tpu.memory_space<vmem>>) semaphore(%arg13 : memref<!tpu.dma_semaphore, #tpu.memory_space<semaphore_mem>>)
        %dma_start3A_112 = tpu.memref_slice %arg7[%select_n3A_107] : memref<5000xi32, #tpu.memory_space<vmem>> -> memref<112xi32, #tpu.memory_space<vmem>>
        %dma_start3A_113 = arith.constant 0 : i32
        %dma_start3A_114 = arith.constant 0 : i32
        %dma_start3A_115 = tpu.memref_slice %arg2[%dma_start3A_113, %dma_start3A_114] : memref<10000x256xf32, #tpu.memory_space<hbm>> -> memref<10000x256xf32, #tpu.memory_space<hbm>>
        tpu.enqueue_indirect_dma source(%dma_start3A_115 : memref<10000x256xf32, #tpu.memory_space<hbm>>) target(%arg10 : memref<112x256xf32, #tpu.memory_space<vmem>>) offsets(%dma_start3A_112 : memref<112xi32, #tpu.memory_space<vmem>>) semaphore(%arg14 : memref<!tpu.dma_semaphore, #tpu.memory_space<semaphore_mem>>)
      } else {
      }
      %mul3A_63 = arith.constant 2 : i32
      %mul3A_64 = arith.muli %scan3A_29, %mul3A_63 : i32
      %add3A_65 = arith.constant 1 : i32
      %add3A_66 = arith.addi %mul3A_64, %add3A_65 : i32
      %lt3A_67 = arith.constant 44 : i32
      %lt3A_68 = arith.cmpi slt, %add3A_66, %lt3A_67 : i32
      %mul3A_69 = arith.constant 112 : i32
      %mul3A_70 = arith.muli %add3A_66, %mul3A_69 : i32
      %jit3A_71 = arith.constant 4888 : i32
      %select_n3A_72 = arith.select %lt3A_68, %mul3A_70, %jit3A_71 : i32
      %dma_wait3A_73 = tpu.memref_slice %arg6[%select_n3A_72] : memref<5000xi32, #tpu.memory_space<vmem>> -> memref<112xi32, #tpu.memory_space<vmem>>
      %dma_wait3A_74 = arith.constant 0 : i32
      %dma_wait3A_75 = arith.constant 0 : i32
      %dma_wait3A_76 = tpu.memref_slice %arg2[%dma_wait3A_74, %dma_wait3A_75] : memref<10000x256xf32, #tpu.memory_space<hbm>> -> memref<10000x256xf32, #tpu.memory_space<hbm>>
      tpu.wait_indirect_dma semaphore(%arg15 : memref<!tpu.dma_semaphore, #tpu.memory_space<semaphore_mem>>) src(%dma_wait3A_76 : memref<10000x256xf32, #tpu.memory_space<hbm>>) dst(%arg11 : memref<112x256xf32, #tpu.memory_space<vmem>>)
      %dma_wait3A_77 = tpu.memref_slice %arg7[%select_n3A_72] : memref<5000xi32, #tpu.memory_space<vmem>> -> memref<112xi32, #tpu.memory_space<vmem>>
      %dma_wait3A_78 = arith.constant 0 : i32
      %dma_wait3A_79 = arith.constant 0 : i32
      %dma_wait3A_80 = tpu.memref_slice %arg2[%dma_wait3A_78, %dma_wait3A_79] : memref<10000x256xf32, #tpu.memory_space<hbm>> -> memref<10000x256xf32, #tpu.memory_space<hbm>>
      tpu.wait_indirect_dma semaphore(%arg16 : memref<!tpu.dma_semaphore, #tpu.memory_space<semaphore_mem>>) src(%dma_wait3A_80 : memref<10000x256xf32, #tpu.memory_space<hbm>>) dst(%arg12 : memref<112x256xf32, #tpu.memory_space<vmem>>)
      %lt3A_81 = arith.constant 44 : i32
      %lt3A_82 = arith.cmpi slt, %add3A_66, %lt3A_81 : i32
      %mul3A_83 = arith.constant 112 : i32
      %mul3A_84 = arith.muli %add3A_66, %mul3A_83 : i32
      %jit3A_85 = arith.constant 4888 : i32
      %select_n3A_86 = arith.select %lt3A_82, %mul3A_84, %jit3A_85 : i32
      %scan3A_87 = arith.constant 0 : i32
      %scan3A_88 = arith.constant 0 : i32
      %scan3A_89 = arith.constant 7 : i32
      %scan3A_90 = arith.addi %scan3A_88, %scan3A_89 : i32
      %scan3A_91 = arith.constant 1 : i32
      scf.for %scan3A_100 = %scan3A_88 to %scan3A_90 step %scan3A_91  : i32 {
        %mul3A_101 = arith.constant 16 : i32
        %mul3A_102 = arith.muli %scan3A_100, %mul3A_101 : i32
        %iota3A = tpu.iota {dimensions = array<i32: 0>} : vector<16xi32>
        %add3A_103 = vector.broadcast %mul3A_102 : i32 to vector<16xi32>
        %add3A_104 = arith.addi %add3A_103, %iota3A : vector<16xi32>
        %broadcast_in_dim3A = arith.constant 0.000000e+00 : f32
        %broadcast_in_dim3A_105 = vector.broadcast %broadcast_in_dim3A : f32 to vector<16xf32>
        %iota3A_106 = tpu.iota {dimensions = array<i32: 0>} : vector<16xi32>
        %scan3A_107 = arith.constant 0 : i32
        %scan3A_108 = arith.constant 16 : i32
        %scan3A_109 = arith.addi %scan3A_107, %scan3A_108 : i32
        %scan3A_110 = arith.constant 1 : i32
        %scan3A_111:5 = scf.for %scan3A_120 = %scan3A_107 to %scan3A_109 step %scan3A_110 iter_args(%scan3A_121 = %iota3A_106, %scan3A_122 = %broadcast_in_dim3A_105, %scan3A_123 = %broadcast_in_dim3A_105, %scan3A_124 = %broadcast_in_dim3A_105, %scan3A_125 = %broadcast_in_dim3A_105) -> (vector<16xi32>, vector<16xf32>, vector<16xf32>, vector<16xf32>, vector<16xf32>)  : i32 {
          %gather3A = tpu.vector_load_idx %arg11[%add3A_104, %scan3A_121] : memref<112x256xf32, #tpu.memory_space<vmem>>[vector<16xi32>, vector<16xi32>], vector<16xf32>,
          %gather3A_126 = tpu.vector_load_idx %arg12[%add3A_104, %scan3A_121] : memref<112x256xf32, #tpu.memory_space<vmem>>[vector<16xi32>, vector<16xi32>], vector<16xf32>,
          %mul3A_127 = arith.mulf %gather3A, %gather3A_126 : vector<16xf32>
          %add3A_128 = arith.addf %scan3A_122, %mul3A_127 : vector<16xf32>
          %add3A_129 = arith.constant 1 : i32
          %add3A_130 = vector.broadcast %add3A_129 : i32 to vector<16xi32>
          %add3A_131 = arith.addi %scan3A_121, %add3A_130 : vector<16xi32>
          %and3A = arith.constant 255 : i32
          %and3A_132 = vector.broadcast %and3A : i32 to vector<16xi32>
          %and3A_133 = arith.andi %add3A_131, %and3A_132 : vector<16xi32>
          %gather3A_134 = tpu.vector_load_idx %arg11[%add3A_104, %and3A_133] : memref<112x256xf32, #tpu.memory_space<vmem>>[vector<16xi32>, vector<16xi32>], vector<16xf32>,
          %gather3A_135 = tpu.vector_load_idx %arg12[%add3A_104, %and3A_133] : memref<112x256xf32, #tpu.memory_space<vmem>>[vector<16xi32>, vector<16xi32>], vector<16xf32>,
          %mul3A_136 = arith.mulf %gather3A_134, %gather3A_135 : vector<16xf32>
          %add3A_137 = arith.addf %scan3A_123, %mul3A_136 : vector<16xf32>
          %add3A_138 = arith.constant 1 : i32
          %add3A_139 = vector.broadcast %add3A_138 : i32 to vector<16xi32>
          %add3A_140 = arith.addi %and3A_133, %add3A_139 : vector<16xi32>
          %and3A_141 = arith.constant 255 : i32
          %and3A_142 = vector.broadcast %and3A_141 : i32 to vector<16xi32>
          %and3A_143 = arith.andi %add3A_140, %and3A_142 : vector<16xi32>
          %gather3A_144 = tpu.vector_load_idx %arg11[%add3A_104, %and3A_143] : memref<112x256xf32, #tpu.memory_space<vmem>>[vector<16xi32>, vector<16xi32>], vector<16xf32>,
          %gather3A_145 = tpu.vector_load_idx %arg12[%add3A_104, %and3A_143] : memref<112x256xf32, #tpu.memory_space<vmem>>[vector<16xi32>, vector<16xi32>], vector<16xf32>,
          %mul3A_146 = arith.mulf %gather3A_144, %gather3A_145 : vector<16xf32>
          %add3A_147 = arith.addf %scan3A_124, %mul3A_146 : vector<16xf32>
          %add3A_148 = arith.constant 1 : i32
          %add3A_149 = vector.broadcast %add3A_148 : i32 to vector<16xi32>
          %add3A_150 = arith.addi %and3A_143, %add3A_149 : vector<16xi32>
          %and3A_151 = arith.constant 255 : i32
          %and3A_152 = vector.broadcast %and3A_151 : i32 to vector<16xi32>
          %and3A_153 = arith.andi %add3A_150, %and3A_152 : vector<16xi32>
          %gather3A_154 = tpu.vector_load_idx %arg11[%add3A_104, %and3A_153] : memref<112x256xf32, #tpu.memory_space<vmem>>[vector<16xi32>, vector<16xi32>], vector<16xf32>,
          %gather3A_155 = tpu.vector_load_idx %arg12[%add3A_104, %and3A_153] : memref<112x256xf32, #tpu.memory_space<vmem>>[vector<16xi32>, vector<16xi32>], vector<16xf32>,
          %mul3A_156 = arith.mulf %gather3A_154, %gather3A_155 : vector<16xf32>
          %add3A_157 = arith.addf %scan3A_125, %mul3A_156 : vector<16xf32>
          %add3A_158 = arith.constant 1 : i32
          %add3A_159 = vector.broadcast %add3A_158 : i32 to vector<16xi32>
          %add3A_160 = arith.addi %and3A_153, %add3A_159 : vector<16xi32>
          %and3A_161 = arith.constant 255 : i32
          %and3A_162 = vector.broadcast %and3A_161 : i32 to vector<16xi32>
          %and3A_163 = arith.andi %add3A_160, %and3A_162 : vector<16xi32>
          %gather3A_164 = tpu.vector_load_idx %arg11[%add3A_104, %and3A_163] : memref<112x256xf32, #tpu.memory_space<vmem>>[vector<16xi32>, vector<16xi32>], vector<16xf32>,
          %gather3A_165 = tpu.vector_load_idx %arg12[%add3A_104, %and3A_163] : memref<112x256xf32, #tpu.memory_space<vmem>>[vector<16xi32>, vector<16xi32>], vector<16xf32>,
          %mul3A_166 = arith.mulf %gather3A_164, %gather3A_165 : vector<16xf32>
          %add3A_167 = arith.addf %add3A_128, %mul3A_166 : vector<16xf32>
          %add3A_168 = arith.constant 1 : i32
          %add3A_169 = vector.broadcast %add3A_168 : i32 to vector<16xi32>
          %add3A_170 = arith.addi %and3A_163, %add3A_169 : vector<16xi32>
          %and3A_171 = arith.constant 255 : i32
          %and3A_172 = vector.broadcast %and3A_171 : i32 to vector<16xi32>
          %and3A_173 = arith.andi %add3A_170, %and3A_172 : vector<16xi32>
          %gather3A_174 = tpu.vector_load_idx %arg11[%add3A_104, %and3A_173] : memref<112x256xf32, #tpu.memory_space<vmem>>[vector<16xi32>, vector<16xi32>], vector<16xf32>,
          %gather3A_175 = tpu.vector_load_idx %arg12[%add3A_104, %and3A_173] : memref<112x256xf32, #tpu.memory_space<vmem>>[vector<16xi32>, vector<16xi32>], vector<16xf32>,
          %mul3A_176 = arith.mulf %gather3A_174, %gather3A_175 : vector<16xf32>
          %add3A_177 = arith.addf %add3A_137, %mul3A_176 : vector<16xf32>
          %add3A_178 = arith.constant 1 : i32
          %add3A_179 = vector.broadcast %add3A_178 : i32 to vector<16xi32>
          %add3A_180 = arith.addi %and3A_173, %add3A_179 : vector<16xi32>
          %and3A_181 = arith.constant 255 : i32
          %and3A_182 = vector.broadcast %and3A_181 : i32 to vector<16xi32>
          %and3A_183 = arith.andi %add3A_180, %and3A_182 : vector<16xi32>
          %gather3A_184 = tpu.vector_load_idx %arg11[%add3A_104, %and3A_183] : memref<112x256xf32, #tpu.memory_space<vmem>>[vector<16xi32>, vector<16xi32>], vector<16xf32>,
          %gather3A_185 = tpu.vector_load_idx %arg12[%add3A_104, %and3A_183] : memref<112x256xf32, #tpu.memory_space<vmem>>[vector<16xi32>, vector<16xi32>], vector<16xf32>,
          %mul3A_186 = arith.mulf %gather3A_184, %gather3A_185 : vector<16xf32>
          %add3A_187 = arith.addf %add3A_147, %mul3A_186 : vector<16xf32>
          %add3A_188 = arith.constant 1 : i32
          %add3A_189 = vector.broadcast %add3A_188 : i32 to vector<16xi32>
          %add3A_190 = arith.addi %and3A_183, %add3A_189 : vector<16xi32>
          %and3A_191 = arith.constant 255 : i32
          %and3A_192 = vector.broadcast %and3A_191 : i32 to vector<16xi32>
          %and3A_193 = arith.andi %add3A_190, %and3A_192 : vector<16xi32>
          %gather3A_194 = tpu.vector_load_idx %arg11[%add3A_104, %and3A_193] : memref<112x256xf32, #tpu.memory_space<vmem>>[vector<16xi32>, vector<16xi32>], vector<16xf32>,
          %gather3A_195 = tpu.vector_load_idx %arg12[%add3A_104, %and3A_193] : memref<112x256xf32, #tpu.memory_space<vmem>>[vector<16xi32>, vector<16xi32>], vector<16xf32>,
          %mul3A_196 = arith.mulf %gather3A_194, %gather3A_195 : vector<16xf32>
          %add3A_197 = arith.addf %add3A_157, %mul3A_196 : vector<16xf32>
          %add3A_198 = arith.constant 1 : i32
          %add3A_199 = vector.broadcast %add3A_198 : i32 to vector<16xi32>
          %add3A_200 = arith.addi %and3A_193, %add3A_199 : vector<16xi32>
          %and3A_201 = arith.constant 255 : i32
          %and3A_202 = vector.broadcast %and3A_201 : i32 to vector<16xi32>
          %and3A_203 = arith.andi %add3A_200, %and3A_202 : vector<16xi32>
          %gather3A_204 = tpu.vector_load_idx %arg11[%add3A_104, %and3A_203] : memref<112x256xf32, #tpu.memory_space<vmem>>[vector<16xi32>, vector<16xi32>], vector<16xf32>,
          %gather3A_205 = tpu.vector_load_idx %arg12[%add3A_104, %and3A_203] : memref<112x256xf32, #tpu.memory_space<vmem>>[vector<16xi32>, vector<16xi32>], vector<16xf32>,
          %mul3A_206 = arith.mulf %gather3A_204, %gather3A_205 : vector<16xf32>
          %add3A_207 = arith.addf %add3A_167, %mul3A_206 : vector<16xf32>
          %add3A_208 = arith.constant 1 : i32
          %add3A_209 = vector.broadcast %add3A_208 : i32 to vector<16xi32>
          %add3A_210 = arith.addi %and3A_203, %add3A_209 : vector<16xi32>
          %and3A_211 = arith.constant 255 : i32
          %and3A_212 = vector.broadcast %and3A_211 : i32 to vector<16xi32>
          %and3A_213 = arith.andi %add3A_210, %and3A_212 : vector<16xi32>
          %gather3A_214 = tpu.vector_load_idx %arg11[%add3A_104, %and3A_213] : memref<112x256xf32, #tpu.memory_space<vmem>>[vector<16xi32>, vector<16xi32>], vector<16xf32>,
          %gather3A_215 = tpu.vector_load_idx %arg12[%add3A_104, %and3A_213] : memref<112x256xf32, #tpu.memory_space<vmem>>[vector<16xi32>, vector<16xi32>], vector<16xf32>,
          %mul3A_216 = arith.mulf %gather3A_214, %gather3A_215 : vector<16xf32>
          %add3A_217 = arith.addf %add3A_177, %mul3A_216 : vector<16xf32>
          %add3A_218 = arith.constant 1 : i32
          %add3A_219 = vector.broadcast %add3A_218 : i32 to vector<16xi32>
          %add3A_220 = arith.addi %and3A_213, %add3A_219 : vector<16xi32>
          %and3A_221 = arith.constant 255 : i32
          %and3A_222 = vector.broadcast %and3A_221 : i32 to vector<16xi32>
          %and3A_223 = arith.andi %add3A_220, %and3A_222 : vector<16xi32>
          %gather3A_224 = tpu.vector_load_idx %arg11[%add3A_104, %and3A_223] : memref<112x256xf32, #tpu.memory_space<vmem>>[vector<16xi32>, vector<16xi32>], vector<16xf32>,
          %gather3A_225 = tpu.vector_load_idx %arg12[%add3A_104, %and3A_223] : memref<112x256xf32, #tpu.memory_space<vmem>>[vector<16xi32>, vector<16xi32>], vector<16xf32>,
          %mul3A_226 = arith.mulf %gather3A_224, %gather3A_225 : vector<16xf32>
          %add3A_227 = arith.addf %add3A_187, %mul3A_226 : vector<16xf32>
          %add3A_228 = arith.constant 1 : i32
          %add3A_229 = vector.broadcast %add3A_228 : i32 to vector<16xi32>
          %add3A_230 = arith.addi %and3A_223, %add3A_229 : vector<16xi32>
          %and3A_231 = arith.constant 255 : i32
          %and3A_232 = vector.broadcast %and3A_231 : i32 to vector<16xi32>
          %and3A_233 = arith.andi %add3A_230, %and3A_232 : vector<16xi32>
          %gather3A_234 = tpu.vector_load_idx %arg11[%add3A_104, %and3A_233] : memref<112x256xf32, #tpu.memory_space<vmem>>[vector<16xi32>, vector<16xi32>], vector<16xf32>,
          %gather3A_235 = tpu.vector_load_idx %arg12[%add3A_104, %and3A_233] : memref<112x256xf32, #tpu.memory_space<vmem>>[vector<16xi32>, vector<16xi32>], vector<16xf32>,
          %mul3A_236 = arith.mulf %gather3A_234, %gather3A_235 : vector<16xf32>
          %add3A_237 = arith.addf %add3A_197, %mul3A_236 : vector<16xf32>
          %add3A_238 = arith.constant 1 : i32
          %add3A_239 = vector.broadcast %add3A_238 : i32 to vector<16xi32>
          %add3A_240 = arith.addi %and3A_233, %add3A_239 : vector<16xi32>
          %and3A_241 = arith.constant 255 : i32
          %and3A_242 = vector.broadcast %and3A_241 : i32 to vector<16xi32>
          %and3A_243 = arith.andi %add3A_240, %and3A_242 : vector<16xi32>
          %gather3A_244 = tpu.vector_load_idx %arg11[%add3A_104, %and3A_243] : memref<112x256xf32, #tpu.memory_space<vmem>>[vector<16xi32>, vector<16xi32>], vector<16xf32>,
          %gather3A_245 = tpu.vector_load_idx %arg12[%add3A_104, %and3A_243] : memref<112x256xf32, #tpu.memory_space<vmem>>[vector<16xi32>, vector<16xi32>], vector<16xf32>,
          %mul3A_246 = arith.mulf %gather3A_244, %gather3A_245 : vector<16xf32>
          %add3A_247 = arith.addf %add3A_207, %mul3A_246 : vector<16xf32>
          %add3A_248 = arith.constant 1 : i32
          %add3A_249 = vector.broadcast %add3A_248 : i32 to vector<16xi32>
          %add3A_250 = arith.addi %and3A_243, %add3A_249 : vector<16xi32>
          %and3A_251 = arith.constant 255 : i32
          %and3A_252 = vector.broadcast %and3A_251 : i32 to vector<16xi32>
          %and3A_253 = arith.andi %add3A_250, %and3A_252 : vector<16xi32>
          %gather3A_254 = tpu.vector_load_idx %arg11[%add3A_104, %and3A_253] : memref<112x256xf32, #tpu.memory_space<vmem>>[vector<16xi32>, vector<16xi32>], vector<16xf32>,
          %gather3A_255 = tpu.vector_load_idx %arg12[%add3A_104, %and3A_253] : memref<112x256xf32, #tpu.memory_space<vmem>>[vector<16xi32>, vector<16xi32>], vector<16xf32>,
          %mul3A_256 = arith.mulf %gather3A_254, %gather3A_255 : vector<16xf32>
          %add3A_257 = arith.addf %add3A_217, %mul3A_256 : vector<16xf32>
          %add3A_258 = arith.constant 1 : i32
          %add3A_259 = vector.broadcast %add3A_258 : i32 to vector<16xi32>
          %add3A_260 = arith.addi %and3A_253, %add3A_259 : vector<16xi32>
          %and3A_261 = arith.constant 255 : i32
          %and3A_262 = vector.broadcast %and3A_261 : i32 to vector<16xi32>
          %and3A_263 = arith.andi %add3A_260, %and3A_262 : vector<16xi32>
          %gather3A_264 = tpu.vector_load_idx %arg11[%add3A_104, %and3A_263] : memref<112x256xf32, #tpu.memory_space<vmem>>[vector<16xi32>, vector<16xi32>], vector<16xf32>,
          %gather3A_265 = tpu.vector_load_idx %arg12[%add3A_104, %and3A_263] : memref<112x256xf32, #tpu.memory_space<vmem>>[vector<16xi32>, vector<16xi32>], vector<16xf32>,
          %mul3A_266 = arith.mulf %gather3A_264, %gather3A_265 : vector<16xf32>
          %add3A_267 = arith.addf %add3A_227, %mul3A_266 : vector<16xf32>
          %add3A_268 = arith.constant 1 : i32
          %add3A_269 = vector.broadcast %add3A_268 : i32 to vector<16xi32>
          %add3A_270 = arith.addi %and3A_263, %add3A_269 : vector<16xi32>
          %and3A_271 = arith.constant 255 : i32
          %and3A_272 = vector.broadcast %and3A_271 : i32 to vector<16xi32>
          %and3A_273 = arith.andi %add3A_270, %and3A_272 : vector<16xi32>
          %gather3A_274 = tpu.vector_load_idx %arg11[%add3A_104, %and3A_273] : memref<112x256xf32, #tpu.memory_space<vmem>>[vector<16xi32>, vector<16xi32>], vector<16xf32>,
          %gather3A_275 = tpu.vector_load_idx %arg12[%add3A_104, %and3A_273] : memref<112x256xf32, #tpu.memory_space<vmem>>[vector<16xi32>, vector<16xi32>], vector<16xf32>,
          %mul3A_276 = arith.mulf %gather3A_274, %gather3A_275 : vector<16xf32>
          %add3A_277 = arith.addf %add3A_237, %mul3A_276 : vector<16xf32>
          %add3A_278 = arith.constant 1 : i32
          %add3A_279 = vector.broadcast %add3A_278 : i32 to vector<16xi32>
          %add3A_280 = arith.addi %and3A_273, %add3A_279 : vector<16xi32>
          %and3A_281 = arith.constant 255 : i32
          %and3A_282 = vector.broadcast %and3A_281 : i32 to vector<16xi32>
          %and3A_283 = arith.andi %add3A_280, %and3A_282 : vector<16xi32>
          scf.yield %and3A_283, %add3A_247, %add3A_257, %add3A_267, %add3A_277 : vector<16xi32>, vector<16xf32>, vector<16xf32>, vector<16xf32>, vector<16xf32>
        }
        %scan3A_112 = arith.constant 16 : i32
        %add3A_113 = arith.addf %scan3A_111#1, %scan3A_111#2 : vector<16xf32>
        %add3A_114 = arith.addf %scan3A_111#3, %scan3A_111#4 : vector<16xf32>
        %add3A_115 = arith.addf %add3A_113, %add3A_114 : vector<16xf32>
        %mul3A_116 = arith.constant 16 : i32
        %mul3A_117 = arith.muli %scan3A_100, %mul3A_116 : i32
        %add3A_118 = arith.addi %select_n3A_86, %mul3A_117 : i32
        %swap3A = arith.index_cast %add3A_118 : i32 to index
        %swap3A_119 = tpu.vector_load %arg8[%swap3A] {strides = array<i32>} : memref<5000xf32, #tpu.memory_space<vmem>>, vector<16xf32>,
        tpu.vector_store %arg8[%swap3A], %add3A_115 {strides = array<i32>} : memref<5000xf32, #tpu.memory_space<vmem>>, vector<16xf32>,
      }
      %scan3A_92 = arith.constant 7 : i32
      %add3A_93 = arith.constant 2 : i32
      %add3A_94 = arith.addi %add3A_66, %add3A_93 : i32
      %lt3A_95 = arith.constant 46 : i32
      %lt3A_96 = arith.cmpi slt, %add3A_94, %lt3A_95 : i32
      %convert_element_type3A_97 = arith.extui %lt3A_96 : i1 to i32
      %cond3A_98 = arith.constant 0 : i32
      %cond3A_99 = arith.cmpi ne, %convert_element_type3A_97, %cond3A_98 : i32
      scf.if %cond3A_99 {
        %add3A_100 = arith.constant 2 : i32
        %add3A_101 = arith.addi %add3A_66, %add3A_100 : i32
        %lt3A_102 = arith.constant 44 : i32
        %lt3A_103 = arith.cmpi slt, %add3A_101, %lt3A_102 : i32
        %mul3A_104 = arith.constant 112 : i32
        %mul3A_105 = arith.muli %add3A_101, %mul3A_104 : i32
        %jit3A_106 = arith.constant 4888 : i32
        %select_n3A_107 = arith.select %lt3A_103, %mul3A_105, %jit3A_106 : i32
        %dma_start3A_108 = tpu.memref_slice %arg6[%select_n3A_107] : memref<5000xi32, #tpu.memory_space<vmem>> -> memref<112xi32, #tpu.memory_space<vmem>>
        %dma_start3A_109 = arith.constant 0 : i32
        %dma_start3A_110 = arith.constant 0 : i32
        %dma_start3A_111 = tpu.memref_slice %arg2[%dma_start3A_109, %dma_start3A_110] : memref<10000x256xf32, #tpu.memory_space<hbm>> -> memref<10000x256xf32, #tpu.memory_space<hbm>>
        tpu.enqueue_indirect_dma source(%dma_start3A_111 : memref<10000x256xf32, #tpu.memory_space<hbm>>) target(%arg11 : memref<112x256xf32, #tpu.memory_space<vmem>>) offsets(%dma_start3A_108 : memref<112xi32, #tpu.memory_space<vmem>>) semaphore(%arg15 : memref<!tpu.dma_semaphore, #tpu.memory_space<semaphore_mem>>)
        %dma_start3A_112 = tpu.memref_slice %arg7[%select_n3A_107] : memref<5000xi32, #tpu.memory_space<vmem>> -> memref<112xi32, #tpu.memory_space<vmem>>
        %dma_start3A_113 = arith.constant 0 : i32
        %dma_start3A_114 = arith.constant 0 : i32
        %dma_start3A_115 = tpu.memref_slice %arg2[%dma_start3A_113, %dma_start3A_114] : memref<10000x256xf32, #tpu.memory_space<hbm>> -> memref<10000x256xf32, #tpu.memory_space<hbm>>
        tpu.enqueue_indirect_dma source(%dma_start3A_115 : memref<10000x256xf32, #tpu.memory_space<hbm>>) target(%arg12 : memref<112x256xf32, #tpu.memory_space<vmem>>) offsets(%dma_start3A_112 : memref<112xi32, #tpu.memory_space<vmem>>) semaphore(%arg16 : memref<!tpu.dma_semaphore, #tpu.memory_space<semaphore_mem>>)
      } else {
      }
    }
    %scan3A_28 = arith.constant 23 : i32
    "tpu.region"() ({
      %run_scoped3A = tpu.sem_alloc : memref<!tpu.dma_semaphore, #tpu.memory_space<semaphore_mem>>
      %dma_start3A_29 = tpu.memref_slice %arg5[%mul3A_2] : memref<160000xf32, #tpu.memory_space<hbm>> -> memref<5000xf32, #tpu.memory_space<hbm>>
      %dma_start3A_30 = tpu.memref_slice %arg5[%mul3A_2] : memref<160000xf32, #tpu.memory_space<hbm>> -> memref<5000xf32, #tpu.memory_space<hbm>>
      tpu.enqueue_dma source(%arg8 : memref<5000xf32, #tpu.memory_space<vmem>>) target(%dma_start3A_30 : memref<5000xf32, #tpu.memory_space<hbm>>) target_semaphore(%run_scoped3A : memref<!tpu.dma_semaphore, #tpu.memory_space<semaphore_mem>>)
      %dma_wait3A = tpu.memref_slice %arg5[%mul3A_2] : memref<160000xf32, #tpu.memory_space<hbm>> -> memref<5000xf32, #tpu.memory_space<hbm>>
      %dma_wait3A_31 = tpu.memref_slice %arg5[%mul3A_2] : memref<160000xf32, #tpu.memory_space<hbm>> -> memref<5000xf32, #tpu.memory_space<hbm>>
      tpu.wait_dma2 semaphore(%run_scoped3A : memref<!tpu.dma_semaphore, #tpu.memory_space<semaphore_mem>>) src(%arg8 : memref<5000xf32, #tpu.memory_space<vmem>>) dst(%dma_wait3A_31 : memref<5000xf32, #tpu.memory_space<hbm>>)
      tpu.yield
    }) : () -> ()
    return
  }
}

</mosaic_0001>

<sc_bundles>
// kernel: _link_predict.3.cloned.1.call-start
scs
__scs_entry_jumppad:
0x0: {  	(pc) =	sbr.rel $0x88, $3  }
0x1: {  	(tag) =	ssettag $0x0;
	lr =	simm.s32 $0x1  }
0x2: {  	[smem:$0x3F9E] =	sst lr;
	_ =	strace $0xD0000000  }
0x3: {  	_ = 	snop  }
0x4: {  	_ = 	snop  }
0x5: {  	_ = 	snop  }
0x6: {  	_ = 	snop  }
0x7: {  	_ = 	snop  }
__scs_overlays_trampoline_lowered:
0x8: {  	[smem:$0x3FAD] =	sst s0  }
0x9: {  	[smem:$0x3FAE] =	sst s1  }
0xa: {  	[smem:$0x3FAF] =	sst s2  }
0xb: {  	[smem:$0x3FB0] =	sst s3  }
0xc: {  	[smem:$0x3FB1] =	sst s4  }
0xd: {  	[smem:$0x3FB2] =	sst s5  }
0xe: {  	[smem:$0x3FB3] =	sst s6  }
0xf: {  	[smem:$0x3FB4] =	sst s7  }
0x10: {  	[smem:$0x3FB5] =	sst s8  }
0x11: {  	[smem:$0x3FB6] =	sst s9;
	s0 =	simm.s32 @!p0 $0x0  }
0x12: {  	s1 =	sld [smem:$0x3F9C];
	s0 =	simm.s32 @p0 $0x1  }
0x13: {  	[smem:$0x3FB7] =	sst s0;
	s0 =	simm.s32 @!p1 $0x0  }
0x14: {  	s2 =	sld [smem:$0x3F9B];
	s0 =	simm.s32 @p1 $0x1  }
0x15: {  	[smem:$0x3FB8] =	sst s0;
	s0 =	simm.s32 @!p2 $0x0  }
0x16: {  	s3 =	sld [smem:$0x3FDB];
	s0 =	simm.s32 @p2 $0x1  }
0x17: {  	s4 =	simm.s32 $0x1BF5;
	[smem:$0x3FBA] =	sst s0  }
0x18: {  	s0 =	sld [smem:$0x3F9D];
	_ =	swait.ge [sflag:s4], $0x0  }
0x19: {  	s7 =	sld [smem:$0x3F9E]  }
0x1a: {  	s8 =	sadd.s32 $0xFFFFE003, lr  }
0x1b: {  	s9 =	sadd.s32 $0xFFFFFEF7, lr;
	s5 =	simm.s32 $0xFFFFFFFF;
	p2 =	slt.u32 s8, $0xFFFFF086  }
0x1c: {  	p1 =	slt.u32 s9, $0xF7A;
	s5 =	simm.s32 @!p2 $0x0  }
0x1d: {  	s5 =	simm.s32 @p1 $0x1;
	p0 =	seq.s32 s7, s2  }
0x1e: {  	s7 =	smul.u32 @!p0 $0xF7A, s2;
	p2 =	seq.s32 @!p0 s5, $0x0  }
0x1f: {  	s9 =	smul.u32 $0xF7A, s1;
	s8 =	simm.s32 @!p0 $0x1BF5;
	p2 =	por !p2, p0  }
0x20: {  	[sflag:s8] =	ssyncset.s32 @!p0 $0xFFFFF086;
	s6 =	sadd.s32 @!p0 s3, s7;
	s7 =	simm.s32 @!p0 $0x108  }
0x21: {  	s3 =	sadd.s32 s3, s9;
	s6 =	sadd.s32 @!p0 $0x88, s6;
	s7 =	simm.s32 @p2 $0x1082  }
0x22: {  	[simem:s7], [sflag:s8] =	dma.local @!p0 [hbm:s6], $0xF7A  }
0x23: {  	s9 =	sor.u32 $0xD0000000, s2;
	s6 =	simm.s32 $0x108;
	_ =	swait.ge @!p0 [sflag:s8], $0x0  }
0x24: {  	s3 =	sadd.s32 $0x88, s3;
	s6 =	simm.s32 @!p1 $0x1082;
	[sflag:s4] =	ssyncset.s32 $0xFFFFF086  }
0x25: {  	[simem:s6], [sflag:s4] =	dma.local [hbm:s3], $0xF7A  }
0x26: {  	[smem:$0x3F9E] =	sst s1;
	(tag) =	ssettag s2;
	_ =	strace s9  }
0x27: {  	s1 =	sld [smem:$0x3FAE]  }
0x28: {  	s2 =	sld [smem:$0x3FAF]  }
0x29: {  	s4 =	sld [smem:$0x3FB1]  }
0x2a: {  	p0 =	seq.s32 s5, $0x0;
	s5 =	sld [smem:$0x3FB2]  }
0x2b: {  	s6 =	sld [smem:$0x3FB3]  }
0x2c: {  	s7 =	sld [smem:$0x3FB4]  }
0x2d: {  	s3 =	simm.s32 $0x108;
	s8 =	sld [smem:$0x3FB5]  }
0x2e: {  	s3 =	simm.s32 @!p0 $0x1082;
	s9 =	sld [smem:$0x3FB6]  }
0x2f: {  	lr =	sadd.s32 s0, s3;
	s0 =	sld [smem:$0x3FAD]  }
0x30: {  	s3 =	sld [smem:$0x3FB0]  }
0x31: {  	[smem:$0x3FB9] =	sst s10  }
0x32: {  	s10 =	sld [smem:$0x3FB7];
	_ =	sdelay $0x3  }
0x33: {  	p0 =	seq.s32 s10, $0x1;
	s10 =	sld [smem:$0x3FB9];
	_ =	sdelay $0x3  }
0x34: {  	[smem:$0x3FB9] =	sst s10  }
0x35: {  	s10 =	sld [smem:$0x3FB8];
	_ =	sdelay $0x3  }
0x36: {  	p1 =	seq.s32 s10, $0x1;
	s10 =	sld [smem:$0x3FB9];
	_ =	sdelay $0x3  }
0x37: {  	[smem:$0x3FB9] =	sst s10  }
0x38: {  	s10 =	sld [smem:$0x3FBA]  }
0x39: {  	_ = 	snop;
	(pc) =	sbr.ind lr, $3  }
0x3a: {  	_ = 	snop  }
0x3b: {  	_ = 	snop  }
0x3c: {  	p2 =	seq.s32 s10, $0x1;
	s10 =	sld [smem:$0x3FB9]  }
0x3d: {  	_ =	shalt  }
0x3e: {  	_ =	shalt  }
0x3f: {  	_ =	shalt  }
0x40: {  	_ =	shalt  }
0x41: {  	_ =	shalt  }
0x42: {  	_ =	shalt  }
0x43: {  	_ =	shalt  }
0x44: {  	_ =	shalt  }
0x45: {  	_ =	shalt  }
0x46: {  	_ =	shalt  }
0x47: {  	_ =	shalt  }
0x48: {  	_ =	shalt  }
0x49: {  	_ =	shalt  }
0x4a: {  	_ =	shalt  }
0x4b: {  	_ =	shalt  }
0x4c: {  	_ =	shalt  }
0x4d: {  	_ =	shalt  }
0x4e: {  	_ =	shalt  }
0x4f: {  	_ =	shalt  }
0x50: {  	_ =	shalt  }
0x51: {  	_ =	shalt  }
0x52: {  	_ =	shalt  }
0x53: {  	_ =	shalt  }
0x54: {  	_ =	shalt  }
0x55: {  	_ =	shalt  }
0x56: {  	_ =	shalt  }
0x57: {  	_ =	shalt  }
0x58: {  	_ =	shalt  }
0x59: {  	_ =	shalt  }
0x5a: {  	_ =	shalt  }
0x5b: {  	_ =	shalt  }
0x5c: {  	_ =	shalt  }
0x5d: {  	_ =	shalt  }
0x5e: {  	_ =	shalt  }
0x5f: {  	_ =	shalt  }
0x60: {  	_ =	shalt  }
0x61: {  	_ =	shalt  }
0x62: {  	_ =	shalt  }
0x63: {  	_ =	shalt  }
0x64: {  	_ =	shalt  }
0x65: {  	_ =	shalt  }
0x66: {  	_ =	shalt  }
0x67: {  	_ =	shalt  }
0x68: {  	_ =	shalt  }
0x69: {  	_ =	shalt  }
0x6a: {  	_ =	shalt  }
0x6b: {  	_ =	shalt  }
0x6c: {  	_ =	shalt  }
0x6d: {  	_ =	shalt  }
0x6e: {  	_ =	shalt  }
0x6f: {  	_ =	shalt  }
0x70: {  	_ =	shalt  }
0x71: {  	_ =	shalt  }
0x72: {  	_ =	shalt  }
0x73: {  	_ =	shalt  }
0x74: {  	_ =	shalt  }
0x75: {  	_ =	shalt  }
0x76: {  	_ =	shalt  }
0x77: {  	_ =	shalt  }
0x78: {  	_ =	shalt  }
0x79: {  	_ =	shalt  }
0x7a: {  	_ =	shalt  }
0x7b: {  	_ =	shalt  }
0x7c: {  	_ =	shalt  }
0x7d: {  	_ =	shalt  }
0x7e: {  	_ =	shalt  }
0x7f: {  	_ =	shalt  }
0x80: {  	_ =	shalt  }
0x81: {  	_ =	shalt  }
0x82: {  	_ =	shalt  }
0x83: {  	_ =	shalt  }
0x84: {  	_ =	shalt  }
0x85: {  	_ =	shalt  }
0x86: {  	_ =	shalt  }
0x87: {  	_ =	shalt  }
.Lfunc_end0:
.L_simem_size_0:
called_computation_lowered:
.L_overlay_start_0:
0x88: {  	s2 =	sld [smem:$0x3FD9]  }
0x89: {  	s3 =	sld [smem:$0x3FFE];
	_ =	sdelay $0x1  }
0x8a: {  	s1 =	srdreg.scid  }
0x8b: {  	s0 =	sand.u32 $0x1, s1  }
0x8c: {  	s17 =	sshll.u32 s0, $0xA;
	s2 =	sadd.s32 s3, s2  }
0x8d: {  	s2 =	sadd.s32 s2, s17  }
0x8e: {  	[smem:$0x3FC5] =	sst s2  }
0x8f: {  	_ = 	snop  }
0x90: {  	s2 =	sld [smem:$0x3FC8]  }
0x91: {  	s18 =	sld [smem:$0x3FC7]  }
0x92: {  	s4 =	sld [smem:$0x3FD0];
	(tm) =	ssettm $0x1  }
0x93: {  	s5 =	sld [smem:$0x3FFB];
	_ =	sdelay $0x3  }
0x94: {  	_ =	strace s5  }
0x95: {  	s5 =	sld [smem:$0x3FFC];
	_ =	sdelay $0x3  }
0x96: {  	_ =	strace s5  }
0x97: {  	s5 =	sld [smem:$0x3FFD];
	_ =	sdelay $0x3  }
0x98: {  	_ =	strace s5  }
0x99: {  	_ =	strace $0x8FFFFFFF  }
0x9a: {  	s19 =	sld [smem:$0x3FDB];
	_ =	sdelay $0x1  }
0x9b: {  	s6 =	simm.s32 $_scs_section_size  }
0x9c: {  	s7 =	simm.s32 $_size__tile_overlayer_lowered;
	s8 =	simm.s32 $_tile_overlayer_lowered  }
0x9d: {  	s22 =	simm.s32 $0x1BFF;
	s21 =	sshll.u32 s8, $0x1;
	s5 =	sadd.s32 s6, s19  }
0x9e: {  	s9 =	simm.s32 $0x0;
	s20 =	sshll.u32 s7, $0x1;
	s7 =	sadd.s32 s21, s5  }
0x9f: {  	[timem:s9], [sflag:s22] =	dma.local [hbm:s7], s20  }
0xa0: {  	_ =	swait.ge [sflag:s22], s20  }
0xa1: {  	s6 =	ssub.s32 $0x0, s20;
	[sflag:s22] =	ssyncset.done $0x0  }
0xa2: {  	[sflag:s22] =	ssyncadd.s32 s6;
	_ =	sdelay $0x1  }
0xa3: {  	s23 =	simm.s32 $0x1B8B  }
0xa4: {  	_ =	swait.ge [sflag:s23], $0x1  }
0xa5: {  	[sflag:s23] =	ssyncset.done $0x0  }
0xa6: {  	s25 =	simm.s32 $0x1B8E;
	s24 =	sld [smem:$0x3FFE];
	[sflag:s23] =	ssyncadd.s32 $0xFFFFFFFF  }
0xa7: {  	s26 =	simm.s32 $execute0_lowered;
	[smem:$0x3FD2] =	sst s25  }
0xa8: {  	s7 =	sshll.u32 s26, $0x1;
	_ =	strace $0x80000046;
	[dreg:$0x1] =	wrdreg $0xFFFFFFFF  }
0xa9: {  	s28 =	simm.s32 $_size_execute0_lowered;
	s5 =	sadd.s32 s5, s7;
	[dreg:$0x0] =	wrdreg $0x0  }
0xaa: {  	s7 =	sshll.u32 s28, $0x1;
	[dreg:$0x2] =	wrdreg s5  }
0xab: {  	[dreg:$0x3] =	wrdreg s7  }
0xac: {  	[dreg:$0x4] =	wrdreg $0xC0  }
0xad: {  	_ =	task [dreg:s9], $0x5FFFF  }
0xae: {  	[dreg:$0x1] =	wrdreg $0xFFFFFFFF  }
0xaf: {  	[dreg:$0x0] =	wrdreg $0x60  }
0xb0: {  	[dreg:$0x2] =	wrdreg s24  }
0xb1: {  	[dreg:$0x3] =	wrdreg s2  }
0xb2: {  	[dreg:$0x4] =	wrdreg s18  }
0xb3: {  	[dreg:$0x5] =	wrdreg s4  }
0xb4: {  	[dreg:$0x6] =	wrdreg $0x9  }
0xb5: {  	_ =	task.clear_ibuf [dreg:s9], $0x7FFFF;
	_ =	strace $0x90000046  }
0xb6: {  	s29 =	simm.s32 $0x9;
	_ =	strace $0x80000048  }
0xb7: {  	_ =	swait.ge [sflag:s29], $0x1  }
0xb8: {  	[sflag:s29] =	ssyncadd.s32 $0xFFFFFFFF  }
0xb9: {  	_ =	strace $0x90000048  }
0xba: {  	_ =	sfence  }
0xbb: {  	s30 =	sld [smem:$0x0];
	_ =	sdelay $0x2  }
0xbc: {  	s31 =	sshll.u32 s1, $0xD;
	s1 =	sshrl.u32 s1, $0x2  }
0xbd: {  	s3 =	sand.u32 $0x4000, s31;
	s1 =	sadd.s32 s1, s30  }
0xbe: {  	s0 =	sor.u32 s3, s0;
	s1 =	sshll.u32 s1, $0x11  }
0xbf: {  	s0 =	sor.u32 s1, s0  }
0xc0: {  	s0 =	sadd.s32 $0x8F2B, s0  }
0xc1: {  	[sflag:s0] =	ssyncadd.remote.s32 $0x1  }
0xc2: {  	_ =	sfence.sel $0xFFFF  }
0xc3: {  	[dreg:$0x0] =	wrdreg $0xFFFFFFFF;
	(pc) =	sbr.abs _section_cstart, $3  }
0xc4: {  	[dreg:$0x1] =	wrdreg $0xFFFFFFFF  }
0xc5: {  	_ =	task.clear_ibuf [dreg:s9], $0x2FFFF;
	_ =	strace $0x9FFFFFFF  }
0xc6: {  	(tm) =	ssettm $0x7FFFFFFF  }
0xc7: {  	_ =	shalt  }
tec
execute0_lowered:
.L_overlay_start_1:
0x0: {  	(tag) =	ssettag $0x1  }
0x1: {  	s3 =	rddreg [dreg:$0x0]  }
0x2: {  	s4 =	rddreg [dreg:$0x1]  }
0x3: {  	s5 =	rddreg [dreg:$0x2]  }
0x4: {  	s6 =	rddreg [dreg:$0x3];
	s2 =	srdreg.scid  }
0x5: {  	s1 =	stileid.u32;
	s0 =	rddreg [dreg:$0x4]  }
0x6: {  	s10 =	simm.s32 $0x70;
	s11 =	simm.s32 $0x3A98;
	s12 =	simm.s32 $0xAA98  }
0x7: {  	s13 =	simm.s32 $0x11A98;
	s14 =	simm.s32 $0x13F8;
	s15 =	simm.s32 $0x18A98  }
0x8: {  	s16 =	simm.s32 $0x1;
	s17 =	simm.s32 $0x2;
	s18 =	simm.s32 $0x3  }
0x9: {  	s19 =	simm.s32 $0x4;
	s20 =	simm.s32 $0x2710;
	s21 =	simm.s32 $0x0  }
0xa: {  	s7 =	sand.u32 $0x1, s2;
	s8 =	sshll.u32 s1, $0x1;
	s2 =	simm.s32 $0x0  }
.Ltmp0:
0xb: {  	s9 =	ssub.s32 $0x2, s7;
	s7 =	sor.u32 s7, s8;
	(pc) =	sbr.rel .LBB2_1-.Ltmp0, $4  }
0xc: {  	[smem:$0x7FF] =	sst s2;
	s31 =	sshrl.u32 s9, $0x1;
	s7 =	smul.u32 $0x271, s7  }
0xd: {  	s3 =	sadd.s32 $0x400, s3;
	_ =	strace $0x80000047;
	s8 =	ssub.s32 s9, s31  }
0xe: {  	s9 =	simm.s32 $0x1388;
	s4 =	sadd.s32 s4, s7;
	s5 =	sadd.s32 s5, s7  }
0xf: {  	s6 =	sadd.s32 s6, s7;
	s7 =	smax.u32 s8, $0x1;
	s8 =	simm.s32 $0x5  }
.LBB2_12:
0x10: {  	s21 =	sadd.s32 $0x1, s21  }
0x11: {  	p0 =	sne.s32 s21, s7  }
.Ltmp1:
0x12: {  	_ = 	snop;
	(pc) =	sbr.rel @!p0 .LBB2_13-.Ltmp1, $4  }
0x13: {  	[hbm4b:s6+s2] =	stream.linear.scatter [tilespmem:s20], [sflag:$0x5], $0x1388, $0x38;
	[tilespmem:$0x1FA98] =	vst v63  }
0x14: {  	_ =	swait.ge [sflag:s8], $0x1388  }
0x15: {  	[sflag:s8] =	ssyncset.done $0x0  }
0x16: {  	[sflag:s8] =	ssyncadd.s32 $0xFFFFEC78  }
.LBB2_1:
0x17: {  	[tilespmem:s2], [sflag:$0x5] =	stream.linear.gather [hbm4b:s4+s2], $0x1388, $0x38;
	[tilespmem:$0x1FA98] =	vst v63  }
0x18: {  	_ =	swait.ge [sflag:s8], $0x1388  }
0x19: {  	[sflag:s8] =	ssyncset.done $0x0  }
0x1a: {  	[sflag:s8] =	ssyncadd.s32 $0xFFFFEC78  }
0x1b: {  	[tilespmem:s9], [sflag:$0x5] =	stream.linear.gather [hbm4b:s5+s2], $0x1388, $0x38;
	[tilespmem:$0x1FA98] =	vst v63  }
0x1c: {  	_ =	swait.ge [sflag:s8], $0x1388  }
0x1d: {  	[sflag:s8] =	ssyncset.done $0x0  }
0x1e: {  	[sflag:s8] =	ssyncadd.s32 $0xFFFFEC78  }
0x1f: {  	[tilespmem:s11], [sflag:$0x1] =	stream.indirect.gather [hbm4b:s3+s10], $0x100, s2, s10, $0xb8;
	[tilespmem:$0x1FA98] =	vst v63  }
0x20: {  	_ = 	snop  }
0x21: {  	[tilespmem:s12], [sflag:$0x2] =	stream.indirect.gather [hbm4b:s3+s10], $0x100, s9, s10, $0xb8;
	[tilespmem:$0x1FA98] =	vst v63  }
0x22: {  	_ = 	snop  }
0x23: {  	[tilespmem:s13], [sflag:$0x3] =	stream.indirect.gather [hbm4b:s3+s10], $0x100, s10, s10, $0xb8;
	[tilespmem:$0x1FA98] =	vst v63  }
0x24: {  	s22 =	simm.s32 $0x0  }
0x25: {  	[tilespmem:s15], [sflag:$0x4] =	stream.indirect.gather [hbm4b:s3+s10], $0x100, s14, s10, $0xb8;
	[tilespmem:$0x1FA98] =	vst v63  }
.LBB2_2:
0x26: {  	_ =	swait.ge [sflag:s16], $0x7000;
	s23 =	smul.u32 $0xE0, s22  }
0x27: {  	[sflag:s16] =	ssyncset.done $0x0  }
0x28: {  	p0 =	seq.s32 s22, $0x16;
	[sflag:s16] =	ssyncadd.s32 $0xFFFF9000;
	s24 =	smov.u32 s23  }
0x29: {  	_ =	swait.ge [sflag:s17], $0x7000;
	s24 =	simm.s32 @p0 $0x1318  }
0x2a: {  	[sflag:s17] =	ssyncset.done $0x0;
	s25 =	sadd.s32 $0x2710, s24  }
0x2b: {  	s24 =	simm.s32 $0x0;
	[sflag:s17] =	ssyncadd.s32 $0xFFFF9000;
	v0 =	vmov s25  }
.LBB2_3:
0x2c: {  	s25 =	sshll.u32 s24, $0x4;
	v5 =	vlaneseq.u32  }
0x2d: {  	v1 =	vmov s25;
	v2 =	vmul.u32 $0x100, v5  }
0x2e: {  	v1 =	vshll.u32 v1, $0x8  }
0x2f: {  	v1 =	vor.u32 v2, v1  }
0x30: {  	v4 =	vadd.s32 $0x2, v5;
	v3 =	vor.u32 v1, v5  }
0x31: {  	v4 =	vand.u32 $0xFF, v4  }
0x32: {  	v7 =	vadd.s32 $0x6, v5;
	v4 =	vor.u32 v1, v4  }
0x33: {  	v12 =	vadd.s32 $0x3, v5;
	v7 =	vand.u32 $0xFF, v7  }
0x34: {  	v12 =	vand.u32 $0xFF, v12;
	v2 =	vadd.s32 $0x1, v5;
	v7 =	vor.u32 v1, v7  }
0x35: {  	v2 =	vand.u32 $0xFF, v2;
	v12 =	vor.u32 v1, v12;
	v8 =	vld.idx.msk [tilespmem:v3+s12+$0x0], $0xffff  }
0x36: {  	v6 =	vor.u32 v1, v2;
	v2 =	vadd.s32 $0x4, v5;
	v10 =	vld.idx.msk [tilespmem:v3+s11+$0x0], $0xffff  }
0x37: {  	v2 =	vand.u32 $0xFF, v2;
	v11 =	vld.idx.msk [tilespmem:v4+s12+$0x0], $0xffff  }
0x38: {  	v2 =	vor.u32 v1, v2;
	v4 =	vld.idx.msk [tilespmem:v4+s11+$0x0], $0xffff  }
0x39: {  	v9 =	vadd.s32 $0xB, v5;
	v17 =	vld.idx.msk [tilespmem:v7+s11+$0x0], $0xffff  }
0x3a: {  	v3 =	vand.u32 $0xFF, v9;
	v21 =	vld.idx.msk [tilespmem:v12+s12+$0x0], $0xffff  }
0x3b: {  	v9 =	vadd.s32 $0x7, v5;
	v12 =	vld.idx.msk [tilespmem:v12+s11+$0x0], $0xffff;
	v3 =	vor.u32 v1, v3  }
0x3c: {  	v15 =	vadd.s32 $0x8, v5;
	v7 =	vld.idx.msk [tilespmem:v7+s12+$0x0], $0xffff;
	v9 =	vand.u32 $0xFF, v9  }
0x3d: {  	v16 =	vand.u32 $0x7, v5;
	v15 =	vand.u32 $0xF8, v15;
	v9 =	vor.u32 v1, v9;
	v13 =	vld.idx.msk [tilespmem:v2+s12+$0x0], $0xffff  }
0x3e: {  	v18 =	vld.idx.msk [tilespmem:v2+s11+$0x0], $0xffff;
	v2 =	vor.u32 v15, v16  }
0x3f: {  	v14 =	vld.idx.msk [tilespmem:v6+s12+$0x0], $0xffff;
	v15 =	vor.u32 v1, v2  }
0x40: {  	v23 =	vadd.s32 $0x9, v5;
	v16 =	vld.idx.msk [tilespmem:v3+s12+$0x0], $0xffff  }
0x41: {  	v22 =	vadd.s32 $0xF, v5;
	v23 =	vand.u32 $0xFF, v23;
	v2 =	vadd.s32 $0x5, v5;
	v19 =	vld.idx.msk [tilespmem:v3+s11+$0x0], $0xffff  }
0x42: {  	v63 =	vadd.s32 $0x10, v5;
	v23 =	vor.u32 v1, v23;
	v2 =	vand.u32 $0xFF, v2;
	v20 =	vld.idx.msk [tilespmem:v9+s12+$0x0], $0xffff  }
0x43: {  	v22 =	vand.u32 $0xFF, v22;
	v11 =	vmul.f32 v11, v4;
	v24 =	vor.u32 v1, v2;
	v9 =	vld.idx.msk [tilespmem:v9+s11+$0x0], $0xffff  }
0x44: {  	v8 =	vmul.f32 v8, v10;
	v10 =	vadd.s32 $0xA, v5;
	v3 =	vimm.f32 $0.0e+00;
	v25 =	vld.idx.msk [tilespmem:v15+s12+$0x0], $0xffff  }
0x45: {  	v10 =	vand.u32 $0xFF, v10;
	v27 =	vadd.f32 v11, v3;
	v11 =	vmul.f32 v21, v12;
	v15 =	vld.idx.msk [tilespmem:v15+s11+$0x0], $0xffff  }
0x46: {  	v26 =	vor.u32 v1, v10;
	v4 =	vmul.f32 v16, v19;
	v19 =	vld.idx.msk [tilespmem:v6+s11+$0x0], $0xffff;
	v6 =	vadd.s32 $0xE, v5  }
0x47: {  	v8 =	vadd.f32 v8, v3;
	v21 =	vadd.f32 v11, v3;
	v11 =	vld.idx.msk [tilespmem:v23+s12+$0x0], $0xffff;
	v6 =	vand.u32 $0xFF, v6  }
0x48: {  	v12 =	vadd.s32 $0xC, v5;
	v18 =	vmul.f32 v13, v18;
	v10 =	vld.idx.msk [tilespmem:v24+s11+$0x0], $0xffff;
	v16 =	vor.u32 v1, v6  }
0x49: {  	v7 =	vmul.f32 v7, v17;
	v2 =	vor.u32 v1, v22;
	v12 =	vand.u32 $0xFF, v12;
	v13 =	vld.idx.msk [tilespmem:v24+s12+$0x0], $0xffff  }
0x4a: {  	v5 =	vadd.s32 $0xD, v5;
	v6 =	vadd.f32 v18, v8;
	v8 =	vld.idx.msk [tilespmem:v23+s11+$0x0], $0xffff;
	v18 =	vor.u32 v1, v12  }
0x4b: {  	v9 =	vmul.f32 v20, v9;
	v5 =	vand.u32 $0xFF, v5;
	v12 =	vld.idx.msk [tilespmem:v26+s11+$0x0], $0xffff;
	v15 =	vmul.f32 v25, v15  }
0x4c: {  	v7 =	vadd.f32 v7, v27;
	v17 =	vmul.f32 v14, v19;
	v14 =	vld.idx.msk [tilespmem:v26+s12+$0x0], $0xffff;
	v19 =	vor.u32 v1, v5  }
0x4d: {  	s26 =	simm.s32 $0xF;
	v9 =	vadd.f32 v9, v21;
	v6 =	vadd.f32 v15, v6;
	v5 =	vand.u32 $0xFF, v63;
	v15 =	vld.idx.msk [tilespmem:v16+s11+$0x0], $0xffff  }
.LBB2_4:
0x4e: {  	v20 =	vadd.s32 $0x1, v5;
	v21 =	vadd.s32 $0x2, v5;
	p1 =	sne.s32 s26, $0x1;
	s26 =	sadd.s32 $0xFFFFFFFF, s26;
	v10 =	vmul.f32 v13, v10;
	v13 =	vld.idx.msk [tilespmem:v16+s12+$0x0], $0xffff  }
0x4f: {  	v16 =	vand.u32 $0xFF, v20;
	v20 =	vand.u32 $0xFF, v21;
	v21 =	vadd.s32 $0xF, v5;
	v22 =	vld.idx.msk [tilespmem:v18+s11+$0x0], $0xffff  }
0x50: {  	v23 =	vor.u32 v1, v5;
	v16 =	vor.u32 v1, v16;
	v21 =	vand.u32 $0xFF, v21;
	v18 =	vld.idx.msk [tilespmem:v18+s12+$0x0], $0xffff  }
0x51: {  	v24 =	vadd.s32 $0x4, v5;
	v25 =	vadd.s32 $0x9, v5;
	v26 =	vadd.s32 $0xB, v5;
	v27 =	vld.idx.msk [tilespmem:v19+s11+$0x0], $0xffff  }
0x52: {  	v28 =	vadd.s32 $0x3, v5;
	v3 =	vadd.f32 v17, v3;
	v20 =	vor.u32 v1, v20;
	v17 =	vld.idx.msk [tilespmem:v19+s12+$0x0], $0xffff  }
0x53: {  	v24 =	vand.u32 $0xFF, v24;
	v8 =	vmul.f32 v11, v8;
	v19 =	vand.u32 $0xFF, v28;
	v11 =	vld.idx.msk [tilespmem:v2+s11+$0x0], $0xffff  }
0x54: {  	v12 =	vmul.f32 v14, v12;
	v28 =	vadd.s32 $0x6, v5;
	v19 =	vor.u32 v1, v19;
	v2 =	vld.idx.msk [tilespmem:v2+s12+$0x0], $0xffff  }
0x55: {  	v24 =	vor.u32 v1, v24;
	v28 =	vand.u32 $0xFF, v28;
	v13 =	vmul.f32 v13, v15;
	v14 =	vld.idx.msk [tilespmem:v23+s12+$0x0], $0xffff  }
0x56: {  	v18 =	vmul.f32 v18, v22;
	v15 =	vld.idx.msk [tilespmem:v23+s11+$0x0], $0xffff;
	v23 =	vor.u32 v1, v28;
	v28 =	vadd.s32 $0x7, v5  }
0x57: {  	v4 =	vadd.f32 v4, v9;
	v26 =	vand.u32 $0xFF, v26;
	v22 =	vld.idx.msk [tilespmem:v16+s12+$0x0], $0xffff;
	v28 =	vand.u32 $0xFF, v28  }
0x58: {  	v26 =	vor.u32 v1, v26;
	v17 =	vmul.f32 v17, v27;
	v9 =	vld.idx.msk [tilespmem:v20+s12+$0x0], $0xffff;
	v28 =	vor.u32 v1, v28  }
0x59: {  	v25 =	vand.u32 $0xFF, v25;
	v3 =	vadd.f32 v10, v3;
	v6 =	vadd.f32 v18, v6;
	v20 =	vld.idx.msk [tilespmem:v20+s11+$0x0], $0xffff  }
0x5a: {  	v7 =	vadd.f32 v12, v7;
	v18 =	vadd.s32 $0x8, v5;
	v2 =	vmul.f32 v2, v11;
	v10 =	vld.idx.msk [tilespmem:v24+s12+$0x0], $0xffff  }
0x5b: {  	v3 =	vadd.f32 v8, v3;
	v11 =	vand.u32 $0xF8, v18;
	v18 =	vand.u32 $0x7, v5;
	v12 =	vld.idx.msk [tilespmem:v23+s11+$0x0], $0xffff  }
0x5c: {  	v7 =	vadd.f32 v13, v7;
	v11 =	vor.u32 v11, v18;
	v18 =	vadd.f32 v2, v4;
	v8 =	vld.idx.msk [tilespmem:v24+s11+$0x0], $0xffff  }
0x5d: {  	v3 =	vadd.f32 v17, v3;
	v4 =	vor.u32 v1, v11;
	v2 =	vor.u32 v1, v21;
	v11 =	vld.idx.msk [tilespmem:v26+s12+$0x0], $0xffff  }
0x5e: {  	v13 =	vld.idx.msk [tilespmem:v26+s11+$0x0], $0xffff  }
0x5f: {  	v17 =	vld.idx.msk [tilespmem:v28+s12+$0x0], $0xffff  }
0x60: {  	v24 =	vadd.s32 $0x5, v5;
	v21 =	vld.idx.msk [tilespmem:v19+s12+$0x0], $0xffff  }
0x61: {  	v24 =	vand.u32 $0xFF, v24;
	v19 =	vld.idx.msk [tilespmem:v19+s11+$0x0], $0xffff  }
0x62: {  	v14 =	vmul.f32 v14, v15;
	v15 =	vor.u32 v1, v24;
	v24 =	vld.idx.msk [tilespmem:v4+s12+$0x0], $0xffff  }
0x63: {  	v27 =	vadd.s32 $0x10, v5;
	v26 =	vld.idx.msk [tilespmem:v4+s11+$0x0], $0xffff  }
0x64: {  	v25 =	vor.u32 v1, v25;
	v6 =	vadd.f32 v14, v6;
	v4 =	vadd.s32 $0xA, v5;
	v14 =	vld.idx.msk [tilespmem:v28+s11+$0x0], $0xffff  }
0x65: {  	v9 =	vmul.f32 v9, v20;
	v20 =	vld.idx.msk [tilespmem:v23+s12+$0x0], $0xffff;
	v23 =	vand.u32 $0xFF, v4;
	v4 =	vmul.f32 v11, v13  }
0x66: {  	v8 =	vmul.f32 v10, v8;
	v11 =	vadd.s32 $0xE, v5;
	v28 =	vld.idx.msk [tilespmem:v16+s11+$0x0], $0xffff;
	v23 =	vor.u32 v1, v23  }
0x67: {  	v7 =	vadd.f32 v9, v7;
	v9 =	vmul.f32 v21, v19;
	v11 =	vand.u32 $0xFF, v11;
	v10 =	vld.idx.msk [tilespmem:v15+s11+$0x0], $0xffff  }
0x68: {  	v16 =	vor.u32 v1, v11;
	v13 =	vld.idx.msk [tilespmem:v15+s12+$0x0], $0xffff;
	v15 =	vadd.s32 $0xC, v5;
	v5 =	vadd.s32 $0xD, v5  }
.Ltmp2:
0x69: {  	v6 =	vadd.f32 v8, v6;
	v19 =	vmul.f32 v24, v26;
	v8 =	vld.idx.msk [tilespmem:v25+s11+$0x0], $0xffff;
	v15 =	vand.u32 $0xFF, v15;
	(pc) =	sbr.rel @p1 .LBB2_4-.Ltmp2, $4  }
0x6a: {  	v9 =	vadd.f32 v9, v18;
	v14 =	vmul.f32 v17, v14;
	v11 =	vld.idx.msk [tilespmem:v25+s12+$0x0], $0xffff;
	v18 =	vor.u32 v1, v15  }
0x6b: {  	v5 =	vand.u32 $0xFF, v5;
	v15 =	vmul.f32 v20, v12;
	v6 =	vadd.f32 v19, v6;
	v12 =	vld.idx.msk [tilespmem:v23+s11+$0x0], $0xffff  }
0x6c: {  	v19 =	vor.u32 v1, v5;
	v17 =	vmul.f32 v22, v28;
	v9 =	vadd.f32 v14, v9;
	v14 =	vld.idx.msk [tilespmem:v23+s12+$0x0], $0xffff  }
0x6d: {  	v5 =	vand.u32 $0xFF, v27;
	v7 =	vadd.f32 v15, v7;
	v15 =	vld.idx.msk [tilespmem:v16+s11+$0x0], $0xffff  }
0x6e: {  	_ =	sdelay $0x3  }
0x6f: {  	v1 =	vld.idx.msk [tilespmem:v16+s12+$0x0], $0xffff  }
0x70: {  	v5 =	vld.idx.msk [tilespmem:v18+s11+$0x0], $0xffff  }
0x71: {  	v60 =	vld.idx.msk [tilespmem:v18+s12+$0x0], $0xffff  }
0x72: {  	v61 =	vld.idx.msk [tilespmem:v19+s11+$0x0], $0xffff  }
0x73: {  	v62 =	vld.idx.msk [tilespmem:v19+s12+$0x0], $0xffff  }
0x74: {  	v20 =	vld.idx.msk [tilespmem:v2+s11+$0x0], $0xffff  }
0x75: {  	v2 =	vld.idx.msk [tilespmem:v2+s12+$0x0], $0xffff  }
0x76: {  	v10 =	vmul.f32 v13, v10;
	v3 =	vadd.f32 v17, v3  }
0x77: {  	v12 =	vmul.f32 v14, v12  }
0x78: {  	v4 =	vadd.f32 v4, v9;
	v8 =	vmul.f32 v11, v8;
	v3 =	vadd.f32 v10, v3  }
0x79: {  	v1 =	vmul.f32 v1, v15;
	v5 =	vmul.f32 v60, v5;
	v7 =	vadd.f32 v12, v7  }
0x7a: {  	v3 =	vadd.f32 v8, v3;
	v63 =	vmul.f32 v62, v61;
	v2 =	vmul.f32 v2, v20  }
0x7b: {  	v5 =	vadd.f32 v5, v6;
	v1 =	vadd.f32 v1, v7  }
0x7c: {  	s24 =	sadd.s32 $0x1, s24;
	v2 =	vadd.f32 v2, v4;
	v3 =	vadd.f32 v63, v3  }
0x7d: {  	p1 =	sne.s32 s24, $0x7  }
.Ltmp3:
0x7e: {  	v3 =	vadd.f32 v3, v5;
	v1 =	vadd.f32 v2, v1;
	(pc) =	sbr.rel @p1 .LBB2_3-.Ltmp3, $3  }
0x7f: {  	_ = 	snop  }
0x80: {  	v1 =	vadd.f32 v1, v3;
	_ =	sdelay $0x1  }
0x81: {  	[tilespmem:v0+s25+$0x0 ss:$0x1] =	vst.idx.msk $0xffff, v1  }
0x82: {  	p1 =	slt.u32 @!p0 s22, $0x15  }
0x83: {  	s24 =	sadd.s32 @!p0 $0xE0, s23;
	p1 =	por !p1, p0  }
0x84: {  	s25 =	simm.s32 @!p0 $0x70;
	s26 =	simm.s32 @!p0 $0x3A98;
	s24 =	simm.s32 @p1 $0x1318  }
0x85: {  	[tilespmem:s26], [sflag:$0x1] =	stream.indirect.gather @!p0 [hbm4b:s3+s25], $0x100, s24, s25, $0xb8;
	[tilespmem:$0x1FA98] =	vst v63  }
0x86: {  	s24 =	sadd.s32 @!p0 $0x1388, s24;
	s26 =	simm.s32 @!p0 $0xAA98  }
0x87: {  	[tilespmem:s26], [sflag:$0x2] =	stream.indirect.gather @!p0 [hbm4b:s3+s25], $0x100, s24, s25, $0xb8;
	[tilespmem:$0x1FA98] =	vst v63  }
0x88: {  	_ =	swait.ge [sflag:s18], $0x7000  }
0x89: {  	[sflag:s18] =	ssyncset.done $0x0  }
0x8a: {  	s24 =	sadd.s32 $0x70, s23;
	[sflag:s18] =	ssyncadd.s32 $0xFFFF9000  }
0x8b: {  	s24 =	simm.s32 @p0 $0x1318;
	_ =	swait.ge [sflag:s19], $0x7000  }
0x8c: {  	s31 =	sadd.s32 $0x2710, s24;
	[sflag:s19] =	ssyncset.done $0x0  }
0x8d: {  	s24 =	simm.s32 $0x0;
	v0 =	vmov s31;
	[sflag:s19] =	ssyncadd.s32 $0xFFFF9000  }
.LBB2_7:
0x8e: {  	s25 =	sshll.u32 s24, $0x4;
	v5 =	vlaneseq.u32  }
0x8f: {  	v1 =	vmov s25;
	v2 =	vmul.u32 $0x100, v5  }
0x90: {  	v1 =	vshll.u32 v1, $0x8  }
0x91: {  	v1 =	vor.u32 v2, v1  }
0x92: {  	v4 =	vadd.s32 $0x2, v5;
	v3 =	vor.u32 v1, v5  }
0x93: {  	v4 =	vand.u32 $0xFF, v4  }
0x94: {  	v7 =	vadd.s32 $0x6, v5;
	v4 =	vor.u32 v1, v4  }
0x95: {  	v12 =	vadd.s32 $0x3, v5;
	v7 =	vand.u32 $0xFF, v7  }
0x96: {  	v12 =	vand.u32 $0xFF, v12;
	v2 =	vadd.s32 $0x1, v5;
	v7 =	vor.u32 v1, v7  }
0x97: {  	v2 =	vand.u32 $0xFF, v2;
	v12 =	vor.u32 v1, v12;
	v8 =	vld.idx.msk [tilespmem:v3+s15+$0x0], $0xffff  }
0x98: {  	v6 =	vor.u32 v1, v2;
	v2 =	vadd.s32 $0x4, v5;
	v10 =	vld.idx.msk [tilespmem:v3+s13+$0x0], $0xffff  }
0x99: {  	v2 =	vand.u32 $0xFF, v2;
	v11 =	vld.idx.msk [tilespmem:v4+s15+$0x0], $0xffff  }
0x9a: {  	v2 =	vor.u32 v1, v2;
	v4 =	vld.idx.msk [tilespmem:v4+s13+$0x0], $0xffff  }
0x9b: {  	v9 =	vadd.s32 $0xB, v5;
	v17 =	vld.idx.msk [tilespmem:v7+s13+$0x0], $0xffff  }
0x9c: {  	v3 =	vand.u32 $0xFF, v9;
	v21 =	vld.idx.msk [tilespmem:v12+s15+$0x0], $0xffff  }
0x9d: {  	v9 =	vadd.s32 $0x7, v5;
	v12 =	vld.idx.msk [tilespmem:v12+s13+$0x0], $0xffff;
	v3 =	vor.u32 v1, v3  }
0x9e: {  	v15 =	vadd.s32 $0x8, v5;
	v7 =	vld.idx.msk [tilespmem:v7+s15+$0x0], $0xffff;
	v9 =	vand.u32 $0xFF, v9  }
0x9f: {  	v16 =	vand.u32 $0x7, v5;
	v15 =	vand.u32 $0xF8, v15;
	v9 =	vor.u32 v1, v9;
	v13 =	vld.idx.msk [tilespmem:v2+s15+$0x0], $0xffff  }
0xa0: {  	v18 =	vld.idx.msk [tilespmem:v2+s13+$0x0], $0xffff;
	v2 =	vor.u32 v15, v16  }
0xa1: {  	v14 =	vld.idx.msk [tilespmem:v6+s15+$0x0], $0xffff;
	v15 =	vor.u32 v1, v2  }
0xa2: {  	v23 =	vadd.s32 $0x9, v5;
	v16 =	vld.idx.msk [tilespmem:v3+s15+$0x0], $0xffff  }
0xa3: {  	v22 =	vadd.s32 $0xF, v5;
	v23 =	vand.u32 $0xFF, v23;
	v2 =	vadd.s32 $0x5, v5;
	v19 =	vld.idx.msk [tilespmem:v3+s13+$0x0], $0xffff  }
0xa4: {  	v63 =	vadd.s32 $0x10, v5;
	v23 =	vor.u32 v1, v23;
	v2 =	vand.u32 $0xFF, v2;
	v20 =	vld.idx.msk [tilespmem:v9+s15+$0x0], $0xffff  }
0xa5: {  	v22 =	vand.u32 $0xFF, v22;
	v11 =	vmul.f32 v11, v4;
	v24 =	vor.u32 v1, v2;
	v9 =	vld.idx.msk [tilespmem:v9+s13+$0x0], $0xffff  }
0xa6: {  	v8 =	vmul.f32 v8, v10;
	v10 =	vadd.s32 $0xA, v5;
	v3 =	vimm.f32 $0.0e+00;
	v25 =	vld.idx.msk [tilespmem:v15+s15+$0x0], $0xffff  }
0xa7: {  	v10 =	vand.u32 $0xFF, v10;
	v27 =	vadd.f32 v11, v3;
	v11 =	vmul.f32 v21, v12;
	v15 =	vld.idx.msk [tilespmem:v15+s13+$0x0], $0xffff  }
0xa8: {  	v26 =	vor.u32 v1, v10;
	v4 =	vmul.f32 v16, v19;
	v19 =	vld.idx.msk [tilespmem:v6+s13+$0x0], $0xffff;
	v6 =	vadd.s32 $0xE, v5  }
0xa9: {  	v8 =	vadd.f32 v8, v3;
	v21 =	vadd.f32 v11, v3;
	v11 =	vld.idx.msk [tilespmem:v23+s15+$0x0], $0xffff;
	v6 =	vand.u32 $0xFF, v6  }
0xaa: {  	v12 =	vadd.s32 $0xC, v5;
	v18 =	vmul.f32 v13, v18;
	v10 =	vld.idx.msk [tilespmem:v24+s13+$0x0], $0xffff;
	v16 =	vor.u32 v1, v6  }
0xab: {  	v7 =	vmul.f32 v7, v17;
	v2 =	vor.u32 v1, v22;
	v12 =	vand.u32 $0xFF, v12;
	v13 =	vld.idx.msk [tilespmem:v24+s15+$0x0], $0xffff  }
0xac: {  	v5 =	vadd.s32 $0xD, v5;
	v6 =	vadd.f32 v18, v8;
	v8 =	vld.idx.msk [tilespmem:v23+s13+$0x0], $0xffff;
	v18 =	vor.u32 v1, v12  }
0xad: {  	v9 =	vmul.f32 v20, v9;
	v5 =	vand.u32 $0xFF, v5;
	v12 =	vld.idx.msk [tilespmem:v26+s13+$0x0], $0xffff;
	v15 =	vmul.f32 v25, v15  }
0xae: {  	v7 =	vadd.f32 v7, v27;
	v17 =	vmul.f32 v14, v19;
	v14 =	vld.idx.msk [tilespmem:v26+s15+$0x0], $0xffff;
	v19 =	vor.u32 v1, v5  }
0xaf: {  	s26 =	simm.s32 $0xF;
	v9 =	vadd.f32 v9, v21;
	v6 =	vadd.f32 v15, v6;
	v5 =	vand.u32 $0xFF, v63;
	v15 =	vld.idx.msk [tilespmem:v16+s13+$0x0], $0xffff  }
.LBB2_8:
0xb0: {  	v20 =	vadd.s32 $0x1, v5;
	v21 =	vadd.s32 $0x2, v5;
	p1 =	sne.s32 s26, $0x1;
	s26 =	sadd.s32 $0xFFFFFFFF, s26;
	v10 =	vmul.f32 v13, v10;
	v13 =	vld.idx.msk [tilespmem:v16+s15+$0x0], $0xffff  }
0xb1: {  	v16 =	vand.u32 $0xFF, v20;
	v20 =	vand.u32 $0xFF, v21;
	v21 =	vadd.s32 $0xF, v5;
	v22 =	vld.idx.msk [tilespmem:v18+s13+$0x0], $0xffff  }
0xb2: {  	v23 =	vor.u32 v1, v5;
	v16 =	vor.u32 v1, v16;
	v21 =	vand.u32 $0xFF, v21;
	v18 =	vld.idx.msk [tilespmem:v18+s15+$0x0], $0xffff  }
0xb3: {  	v24 =	vadd.s32 $0x4, v5;
	v25 =	vadd.s32 $0x9, v5;
	v26 =	vadd.s32 $0xB, v5;
	v27 =	vld.idx.msk [tilespmem:v19+s13+$0x0], $0xffff  }
0xb4: {  	v28 =	vadd.s32 $0x3, v5;
	v3 =	vadd.f32 v17, v3;
	v20 =	vor.u32 v1, v20;
	v17 =	vld.idx.msk [tilespmem:v19+s15+$0x0], $0xffff  }
0xb5: {  	v24 =	vand.u32 $0xFF, v24;
	v8 =	vmul.f32 v11, v8;
	v19 =	vand.u32 $0xFF, v28;
	v11 =	vld.idx.msk [tilespmem:v2+s13+$0x0], $0xffff  }
0xb6: {  	v12 =	vmul.f32 v14, v12;
	v28 =	vadd.s32 $0x6, v5;
	v19 =	vor.u32 v1, v19;
	v2 =	vld.idx.msk [tilespmem:v2+s15+$0x0], $0xffff  }
0xb7: {  	v24 =	vor.u32 v1, v24;
	v28 =	vand.u32 $0xFF, v28;
	v13 =	vmul.f32 v13, v15;
	v14 =	vld.idx.msk [tilespmem:v23+s15+$0x0], $0xffff  }
0xb8: {  	v18 =	vmul.f32 v18, v22;
	v15 =	vld.idx.msk [tilespmem:v23+s13+$0x0], $0xffff;
	v23 =	vor.u32 v1, v28;
	v28 =	vadd.s32 $0x7, v5  }
0xb9: {  	v4 =	vadd.f32 v4, v9;
	v26 =	vand.u32 $0xFF, v26;
	v22 =	vld.idx.msk [tilespmem:v16+s15+$0x0], $0xffff;
	v28 =	vand.u32 $0xFF, v28  }
0xba: {  	v26 =	vor.u32 v1, v26;
	v17 =	vmul.f32 v17, v27;
	v9 =	vld.idx.msk [tilespmem:v20+s15+$0x0], $0xffff;
	v28 =	vor.u32 v1, v28  }
0xbb: {  	v25 =	vand.u32 $0xFF, v25;
	v3 =	vadd.f32 v10, v3;
	v6 =	vadd.f32 v18, v6;
	v20 =	vld.idx.msk [tilespmem:v20+s13+$0x0], $0xffff  }
0xbc: {  	v7 =	vadd.f32 v12, v7;
	v18 =	vadd.s32 $0x8, v5;
	v2 =	vmul.f32 v2, v11;
	v10 =	vld.idx.msk [tilespmem:v24+s15+$0x0], $0xffff  }
0xbd: {  	v3 =	vadd.f32 v8, v3;
	v11 =	vand.u32 $0xF8, v18;
	v18 =	vand.u32 $0x7, v5;
	v12 =	vld.idx.msk [tilespmem:v23+s13+$0x0], $0xffff  }
0xbe: {  	v7 =	vadd.f32 v13, v7;
	v11 =	vor.u32 v11, v18;
	v18 =	vadd.f32 v2, v4;
	v8 =	vld.idx.msk [tilespmem:v24+s13+$0x0], $0xffff  }
0xbf: {  	v3 =	vadd.f32 v17, v3;
	v4 =	vor.u32 v1, v11;
	v2 =	vor.u32 v1, v21;
	v11 =	vld.idx.msk [tilespmem:v26+s15+$0x0], $0xffff  }
0xc0: {  	v13 =	vld.idx.msk [tilespmem:v26+s13+$0x0], $0xffff  }
0xc1: {  	v17 =	vld.idx.msk [tilespmem:v28+s15+$0x0], $0xffff  }
0xc2: {  	v24 =	vadd.s32 $0x5, v5;
	v21 =	vld.idx.msk [tilespmem:v19+s15+$0x0], $0xffff  }
0xc3: {  	v24 =	vand.u32 $0xFF, v24;
	v19 =	vld.idx.msk [tilespmem:v19+s13+$0x0], $0xffff  }
0xc4: {  	v14 =	vmul.f32 v14, v15;
	v15 =	vor.u32 v1, v24;
	v24 =	vld.idx.msk [tilespmem:v4+s15+$0x0], $0xffff  }
0xc5: {  	v27 =	vadd.s32 $0x10, v5;
	v26 =	vld.idx.msk [tilespmem:v4+s13+$0x0], $0xffff  }
0xc6: {  	v25 =	vor.u32 v1, v25;
	v6 =	vadd.f32 v14, v6;
	v4 =	vadd.s32 $0xA, v5;
	v14 =	vld.idx.msk [tilespmem:v28+s13+$0x0], $0xffff  }
0xc7: {  	v9 =	vmul.f32 v9, v20;
	v20 =	vld.idx.msk [tilespmem:v23+s15+$0x0], $0xffff;
	v23 =	vand.u32 $0xFF, v4;
	v4 =	vmul.f32 v11, v13  }
0xc8: {  	v8 =	vmul.f32 v10, v8;
	v11 =	vadd.s32 $0xE, v5;
	v28 =	vld.idx.msk [tilespmem:v16+s13+$0x0], $0xffff;
	v23 =	vor.u32 v1, v23  }
0xc9: {  	v7 =	vadd.f32 v9, v7;
	v9 =	vmul.f32 v21, v19;
	v11 =	vand.u32 $0xFF, v11;
	v10 =	vld.idx.msk [tilespmem:v15+s13+$0x0], $0xffff  }
0xca: {  	v16 =	vor.u32 v1, v11;
	v13 =	vld.idx.msk [tilespmem:v15+s15+$0x0], $0xffff;
	v15 =	vadd.s32 $0xC, v5;
	v5 =	vadd.s32 $0xD, v5  }
.Ltmp4:
0xcb: {  	v6 =	vadd.f32 v8, v6;
	v19 =	vmul.f32 v24, v26;
	v8 =	vld.idx.msk [tilespmem:v25+s13+$0x0], $0xffff;
	v15 =	vand.u32 $0xFF, v15;
	(pc) =	sbr.rel @p1 .LBB2_8-.Ltmp4, $4  }
0xcc: {  	v9 =	vadd.f32 v9, v18;
	v14 =	vmul.f32 v17, v14;
	v11 =	vld.idx.msk [tilespmem:v25+s15+$0x0], $0xffff;
	v18 =	vor.u32 v1, v15  }
0xcd: {  	v5 =	vand.u32 $0xFF, v5;
	v15 =	vmul.f32 v20, v12;
	v6 =	vadd.f32 v19, v6;
	v12 =	vld.idx.msk [tilespmem:v23+s13+$0x0], $0xffff  }
0xce: {  	v19 =	vor.u32 v1, v5;
	v17 =	vmul.f32 v22, v28;
	v9 =	vadd.f32 v14, v9;
	v14 =	vld.idx.msk [tilespmem:v23+s15+$0x0], $0xffff  }
0xcf: {  	v5 =	vand.u32 $0xFF, v27;
	v7 =	vadd.f32 v15, v7;
	v15 =	vld.idx.msk [tilespmem:v16+s13+$0x0], $0xffff  }
0xd0: {  	_ =	sdelay $0x3  }
0xd1: {  	v1 =	vld.idx.msk [tilespmem:v16+s15+$0x0], $0xffff  }
0xd2: {  	v5 =	vld.idx.msk [tilespmem:v18+s13+$0x0], $0xffff  }
0xd3: {  	v60 =	vld.idx.msk [tilespmem:v18+s15+$0x0], $0xffff  }
0xd4: {  	v61 =	vld.idx.msk [tilespmem:v19+s13+$0x0], $0xffff  }
0xd5: {  	v62 =	vld.idx.msk [tilespmem:v19+s15+$0x0], $0xffff  }
0xd6: {  	v20 =	vld.idx.msk [tilespmem:v2+s13+$0x0], $0xffff  }
0xd7: {  	v2 =	vld.idx.msk [tilespmem:v2+s15+$0x0], $0xffff  }
0xd8: {  	v10 =	vmul.f32 v13, v10;
	v3 =	vadd.f32 v17, v3  }
0xd9: {  	v12 =	vmul.f32 v14, v12  }
0xda: {  	v4 =	vadd.f32 v4, v9;
	v8 =	vmul.f32 v11, v8;
	v3 =	vadd.f32 v10, v3  }
0xdb: {  	v1 =	vmul.f32 v1, v15;
	v5 =	vmul.f32 v60, v5;
	v7 =	vadd.f32 v12, v7  }
0xdc: {  	v3 =	vadd.f32 v8, v3;
	v63 =	vmul.f32 v62, v61;
	v2 =	vmul.f32 v2, v20  }
0xdd: {  	v5 =	vadd.f32 v5, v6;
	v1 =	vadd.f32 v1, v7  }
0xde: {  	s24 =	sadd.s32 $0x1, s24;
	v2 =	vadd.f32 v2, v4;
	v3 =	vadd.f32 v63, v3  }
0xdf: {  	p1 =	sne.s32 s24, $0x7  }
.Ltmp5:
0xe0: {  	v3 =	vadd.f32 v3, v5;
	v1 =	vadd.f32 v2, v1;
	(pc) =	sbr.rel @p1 .LBB2_7-.Ltmp5, $3  }
0xe1: {  	_ = 	snop  }
0xe2: {  	v1 =	vadd.f32 v1, v3;
	_ =	sdelay $0x1  }
0xe3: {  	[tilespmem:v0+s25+$0x0 ss:$0x1] =	vst.idx.msk $0xffff, v1  }
.Ltmp6:
0xe4: {  	(pc) =	sbr.rel @p0 .LBB2_12-.Ltmp6, $1  }
0xe5: {  	_ =	sdelay $0x3  }
.Ltmp7:
0xe6: {  	p0 =	slt.u32 s22, $0x15;
	s23 =	sadd.s32 $0x150, s23;
	(pc) =	sbr.rel .LBB2_2-.Ltmp7, $4  }
0xe7: {  	s23 =	simm.s32 @!p0 $0x1318  }
0xe8: {  	[tilespmem:s13], [sflag:$0x3] =	stream.indirect.gather [hbm4b:s3+s10], $0x100, s23, s10, $0xb8;
	[tilespmem:$0x1FA98] =	vst v63  }
0xe9: {  	s22 =	sadd.s32 $0x1, s22;
	s23 =	sadd.s32 $0x1388, s23  }
0xea: {  	[tilespmem:s15], [sflag:$0x4] =	stream.indirect.gather [hbm4b:s3+s10], $0x100, s23, s10, $0xb8;
	[tilespmem:$0x1FA98] =	vst v63  }
.LBB2_13:
0xeb: {  	_ =	sfence.sel $0x180000  }
0xec: {  	[bflag:$0x0] =	sbarrier.arrive $0xFFFF  }
0xed: {  	p0 =	sne.s32 s1, $0x0;
	_ =	strace $0x90000047  }
0xee: {  	s0 =	sadd.s32 @!p0 $0x100000, s0;
	[bflag:$0x2] =	sbarrier.arrive $0xFFFF  }
0xef: {  	[sflag:s0] =	ssyncadd.tile.s32 @!p0 $0x1;
	_ =	shalt  }
.Lfunc_end2:
_tile_overlayer_lowered:
.L_overlay_start_2:
0xf0: {  	(tag) =	ssettag $0x2  }
0xf1: {  	s0 =	rddreg [dreg:$0x0];
	s2 =	stileid.u32  }
0xf2: {  	s1 =	rddreg [dreg:$0x1];
	p0 =	sne.s32 s2, $0x0  }
0xf3: {  	s3 =	rddreg [dreg:$0x2];
	[bflag:$0x3] =	sbarrier.arrive $0xFFFF;
	s2 =	simm.s32 @!p0 $0x1C05  }
0xf4: {  	[timem:s3], [sflag:s2] =	dma.local @!p0 [hbm:s0], s1  }
0xf5: {  	s0 =	simm.s32 @!p0 $0x5  }
0xf6: {  	_ =	swait.ge @!p0 [sflag:s0], s1  }
0xf7: {  	s1 =	ssub.s32 @!p0 $0x0, s1;
	[sflag:s0] =	ssyncset.done @!p0 $0x0  }
0xf8: {  	[sflag:s0] =	ssyncadd.s32 @!p0 s1  }
0xf9: {  	[bflag:$0x3] =	sbarrier.arrive $0xFFFF  }
0xfa: {  	_ =	shalt  }

</sc_bundles>
